<compile_context>
chip_gen: v7x
topology: tpu7x:2x2x1
jax: 0.10.2.dev20260603
libtpu: 0.0.44.dev20260713+nightly
codegen_flags: <defaults>
</compile_context>

<pallas_src>
import jax
import jax.numpy as jnp
from jax import lax
from jax.experimental import pallas as pl
from jax.experimental.pallas import tpu as pltpu
from jax.experimental.pallas import tpu_sc as plsc

_B = 16384
_NBINS = 128
_WEIGHT = 0.7

_ROWS = 4096
_GRID = _B // _ROWS
_SUB = _ROWS // _NBINS

_NS = 16
_CHUNK = _B // _NS
_LANES = 16
_UNROLL = 4


def _tc_body(x_ref, z_ref, rm_ref, ist_ref):
    x = x_ref[...]
    z = z_ref[...]
    bins = lax.broadcasted_iota(jnp.int32, (1, _NBINS), 1).astype(jnp.float32)
    e = jnp.exp(-jnp.abs(x))
    inv1pe = 1.0 / (1.0 + e)
    sig = jnp.where(x >= 0.0, inv1pe, e * inv1pe)
    ist = jnp.sum(sig * bins, axis=1)
    per = jnp.maximum(x, 0.0) - x * z + jnp.log1p(e)
    rm = jnp.mean(per, axis=1)
    rm_ref[...] = rm.reshape(_SUB, _NBINS)
    ist_ref[...] = ist.reshape(_SUB, _NBINS)


def _tc_stage(inputs, target_label):
    out_sds = jax.ShapeDtypeStruct((_B // _NBINS, _NBINS), jnp.float32)
    return pl.pallas_call(
        _tc_body,
        grid=(_GRID,),
        in_specs=[
            pl.BlockSpec((_ROWS, _NBINS), lambda i: (i, 0)),
            pl.BlockSpec((_ROWS, _NBINS), lambda i: (i, 0)),
        ],
        out_specs=[
            pl.BlockSpec((_SUB, _NBINS), lambda i: (i, 0)),
            pl.BlockSpec((_SUB, _NBINS), lambda i: (i, 0)),
        ],
        out_shape=[out_sds, out_sds],
    )(inputs, target_label)


def _sc_body(rm_hbm, ist_hbm, tgt_hbm, alive_hbm, pseudo_hbm, out_hbm,
             rm_v, ist_v, tgt_v, al_v, ps_v, part_v, big_v, out_v,
             shared, dma_sem):
    sid = lax.axis_index("s")
    base = sid * _CHUNK
    cp1 = pltpu.async_copy(rm_hbm.at[pl.ds(base, _CHUNK)], rm_v, dma_sem)
    cp2 = pltpu.async_copy(ist_hbm.at[pl.ds(base, _CHUNK)], ist_v, dma_sem)
    cp3 = pltpu.async_copy(tgt_hbm.at[pl.ds(base, _CHUNK)], tgt_v, dma_sem)
    cp4 = pltpu.async_copy(alive_hbm.at[pl.ds(base, _CHUNK)], al_v, dma_sem)
    cp5 = pltpu.async_copy(pseudo_hbm.at[pl.ds(base, _CHUNK)], ps_v, dma_sem)
    cp1.wait()
    cp2.wait()
    cp3.wait()
    cp4.wait()
    cp5.wait()

    zeros = jnp.zeros((_LANES,), jnp.float32)

    def body(i, carry):
        svm, cvm, spm, cpm = carry
        for u in range(_UNROLL):
            sl = pl.ds((i * _UNROLL + u) * _LANES, _LANES)
            rm = rm_v[sl]
            ist = ist_v[sl]
            tgt = tgt_v[sl]
            al = al_v[sl]
            ps = ps_v[sl]
            valid = (ps == 2) & ((ist < tgt) | (al == 0))
            vm = jnp.where(valid, 1.0, 0.0)
            pm = jnp.where(ps == 1, 1.0, 0.0)
            svm = svm + rm * vm
            cvm = cvm + vm
            spm = spm + rm * pm
            cpm = cpm + pm
        return (svm, cvm, spm, cpm)

    svm, cvm, spm, cpm = lax.fori_loop(
        0, _CHUNK // (_LANES * _UNROLL), body, (zeros, zeros, zeros, zeros))

    part_v[0, :] = svm
    part_v[1, :] = cvm
    part_v[2, :] = spm
    part_v[3, :] = cpm
    pltpu.sync_copy(part_v, shared.at[sid])
    plsc.subcore_barrier()

    @pl.when(sid == 0)
    def _():
        pltpu.sync_copy(shared, big_v)
        tot = []
        for r in range(4):
            a = big_v[0, r, :]
            for t in range(1, _NS):
                a = a + big_v[t, r, :]
            s = a[0]
            for i in range(1, _LANES):
                s = s + a[i]
            tot.append(jnp.full((_LANES,), s))
        s_svm, s_cvm, s_spm, s_cpm = tot
        loss_true = jnp.where(s_cvm > 0.0, s_svm / jnp.maximum(s_cvm, 1.0), 0.0)
        loss_pseudo = jnp.where(s_cpm > 0.0, s_spm / jnp.maximum(s_cpm, 1.0), 0.0)
        loss = loss_true * _WEIGHT + loss_pseudo * (1.0 - _WEIGHT)
        out_v[...] = loss
        pltpu.sync_copy(out_v, out_hbm)


def _sc_stage(row_mean, ist, target, alive, pseudo):
    mesh = plsc.VectorSubcoreMesh(
        core_axis_name="c", subcore_axis_name="s", num_cores=1,
        num_subcores=_NS)
    call = pl.kernel(
        _sc_body,
        out_type=jax.ShapeDtypeStruct((_LANES,), jnp.float32),
        mesh=mesh,
        scratch_types=[
            pltpu.VMEM((_CHUNK,), jnp.float32),
            pltpu.VMEM((_CHUNK,), jnp.float32),
            pltpu.VMEM((_CHUNK,), jnp.float32),
            pltpu.VMEM((_CHUNK,), jnp.int32),
            pltpu.VMEM((_CHUNK,), jnp.int32),
            pltpu.VMEM((4, _LANES), jnp.float32),
            pltpu.VMEM((_NS, 4, _LANES), jnp.float32),
            pltpu.VMEM((_LANES,), jnp.float32),
            pltpu.VMEM_SHARED((_NS, 4, _LANES), jnp.float32),
            pltpu.SemaphoreType.DMA,
        ],
    )
    return call(row_mean, ist, target, alive, pseudo)


def kernel(inputs, target, target_label, alive, pseudo, bins):
    del bins
    rm2d, ist2d = _tc_stage(inputs, target_label)
    rm = rm2d.reshape(_B)
    ist = ist2d.reshape(_B)
    out = _sc_stage(rm, ist, target, alive, pseudo)
    return out[0]

# --- scband reference (transcript-rebuilt; emitter-appended) ---
"""Pipeline reference for scband-mse-with-alive3-738734374940 (READ-ONLY COPY).

The authoritative reference and input builder live on the scoring server;
editing this copy changes nothing except your own understanding.
"""

import jax, jax.numpy as jnp
import numpy as np

WEIGHT = 0.7
B, NBINS = 16384, 128


def setup_inputs(seed: int = 0) -> dict:
    key = jax.random.key(seed)
    k1, k2, k3, k4, k5 = jax.random.split(key, 5)
    inputs = jax.random.normal(k1, (B, NBINS), dtype=jnp.float32)
    target = jax.random.uniform(k2, (B,), dtype=jnp.float32)
    target_label = jax.random.uniform(k3, (B, NBINS), dtype=jnp.float32)
    alive = jax.random.randint(k4, (B,), 0, 2, dtype=jnp.int32)
    pseudo = jax.random.randint(k5, (B,), 0, 3, dtype=jnp.int32)
    bins = jnp.arange(NBINS, dtype=jnp.float32)
    return {"inputs": inputs, "target": target, "target_label": target_label,
            "alive": alive, "pseudo": pseudo, "bins": bins}


def _bce_with_logits(logits, labels):
    # numerically stable elementwise BCEWithLogits: max(x,0) - x*z + log(1+exp(-|x|))
    return jnp.maximum(logits, 0.0) - logits * labels + jnp.log1p(jnp.exp(-jnp.abs(logits)))


def reference(inputs, target, target_label, alive, pseudo, bins):
    sig = jax.nn.sigmoid(inputs)
    input_sur_time = (bins[None, :] * sig).sum(axis=1)  # [B]

    valid_mask = (pseudo == 2) & ((input_sur_time < target) | (alive == 0))
    pseudo_mask = (pseudo == 1)

    per_elem = _bce_with_logits(inputs, target_label)  # [B, NBINS]
    row_mean = per_elem.mean(axis=1)                   # [B]

    true_count = valid_mask.sum()
    pseudo_count = pseudo_mask.sum()

    vm = valid_mask.astype(jnp.float32)
    pm = pseudo_mask.astype(jnp.float32)

    # BCEWithLogitsLoss mean over the gathered submatrix == masked-row mean
    loss_true = jnp.where(true_count > 0,
                          (row_mean * vm).sum() / jnp.maximum(true_count, 1).astype(jnp.float32),
                          jnp.float32(0.0))
    loss_pseudo = jnp.where(pseudo_count > 0,
                            (row_mean * pm).sum() / jnp.maximum(pseudo_count, 1).astype(jnp.float32),
                            jnp.float32(0.0))

    loss = loss_true * WEIGHT + loss_pseudo * (1.0 - WEIGHT)
    return loss

if __name__ == "__main__":
    import jax
    _d = setup_inputs()
    print(jax.jit(kernel)(*tuple(_d.values())))

</pallas_src>

<mosaic_0001>
#map = affine_map<(d0, d1) -> (0)>
module attributes {stable_mosaic.version = 14 : i64} {
  func.func @_sc_body(%arg0: i32, %arg1: i32, %arg2: memref<16384xf32, #tpu.memory_space<hbm>>, %arg3: memref<16384xf32, #tpu.memory_space<hbm>>, %arg4: memref<16384xf32, #tpu.memory_space<hbm>>, %arg5: memref<16384xi32, #tpu.memory_space<hbm>>, %arg6: memref<16384xi32, #tpu.memory_space<hbm>>, %arg7: memref<16xf32, #tpu.memory_space<hbm>>, %arg8: memref<1024xf32, #tpu.memory_space<vmem>>, %arg9: memref<1024xf32, #tpu.memory_space<vmem>>, %arg10: memref<1024xf32, #tpu.memory_space<vmem>>, %arg11: memref<1024xi32, #tpu.memory_space<vmem>>, %arg12: memref<1024xi32, #tpu.memory_space<vmem>>, %arg13: memref<4x16xf32, #tpu.memory_space<vmem>>, %arg14: memref<16x4x16xf32, #tpu.memory_space<vmem>>, %arg15: memref<16xf32, #tpu.memory_space<vmem>>, %arg16: memref<16x4x16xf32, #tpu.memory_space<vmem_shared>>, %arg17: memref<!tpu.dma_semaphore, #tpu.memory_space<semaphore_mem>>) attributes {dimension_semantics = [#tpu.dimension_semantics<core_parallel>, #tpu.dimension_semantics<subcore_parallel>], iteration_bounds = array<i64: 1, 16>, scalar_prefetch = 0 : i64, scratch_operands = 10 : i64, tpu.core_type = #tpu.core_type<sc_vector_subcore>, window_params = [{transform_indices = #map}, {transform_indices = #map}, {transform_indices = #map}, {transform_indices = #map}, {transform_indices = #map}, {transform_indices = #map}]} {
    %mul3A = arith.constant 1024 : i32
    %mul3A_0 = arith.muli %arg1, %mul3A : i32
    %dma_start3A = tpu.memref_slice %arg2[%mul3A_0] : memref<16384xf32, #tpu.memory_space<hbm>> -> memref<1024xf32, #tpu.memory_space<hbm>>
    %dma_start3A_1 = tpu.memref_slice %arg2[%mul3A_0] : memref<16384xf32, #tpu.memory_space<hbm>> -> memref<1024xf32, #tpu.memory_space<hbm>>
    tpu.enqueue_dma source(%dma_start3A_1 : memref<1024xf32, #tpu.memory_space<hbm>>) target(%arg8 : memref<1024xf32, #tpu.memory_space<vmem>>) target_semaphore(%arg17 : memref<!tpu.dma_semaphore, #tpu.memory_space<semaphore_mem>>)
    %dma_start3A_2 = tpu.memref_slice %arg3[%mul3A_0] : memref<16384xf32, #tpu.memory_space<hbm>> -> memref<1024xf32, #tpu.memory_space<hbm>>
    %dma_start3A_3 = tpu.memref_slice %arg3[%mul3A_0] : memref<16384xf32, #tpu.memory_space<hbm>> -> memref<1024xf32, #tpu.memory_space<hbm>>
    tpu.enqueue_dma source(%dma_start3A_3 : memref<1024xf32, #tpu.memory_space<hbm>>) target(%arg9 : memref<1024xf32, #tpu.memory_space<vmem>>) target_semaphore(%arg17 : memref<!tpu.dma_semaphore, #tpu.memory_space<semaphore_mem>>)
    %dma_start3A_4 = tpu.memref_slice %arg4[%mul3A_0] : memref<16384xf32, #tpu.memory_space<hbm>> -> memref<1024xf32, #tpu.memory_space<hbm>>
    %dma_start3A_5 = tpu.memref_slice %arg4[%mul3A_0] : memref<16384xf32, #tpu.memory_space<hbm>> -> memref<1024xf32, #tpu.memory_space<hbm>>
    tpu.enqueue_dma source(%dma_start3A_5 : memref<1024xf32, #tpu.memory_space<hbm>>) target(%arg10 : memref<1024xf32, #tpu.memory_space<vmem>>) target_semaphore(%arg17 : memref<!tpu.dma_semaphore, #tpu.memory_space<semaphore_mem>>)
    %dma_start3A_6 = tpu.memref_slice %arg5[%mul3A_0] : memref<16384xi32, #tpu.memory_space<hbm>> -> memref<1024xi32, #tpu.memory_space<hbm>>
    %dma_start3A_7 = tpu.memref_slice %arg5[%mul3A_0] : memref<16384xi32, #tpu.memory_space<hbm>> -> memref<1024xi32, #tpu.memory_space<hbm>>
    tpu.enqueue_dma source(%dma_start3A_7 : memref<1024xi32, #tpu.memory_space<hbm>>) target(%arg11 : memref<1024xi32, #tpu.memory_space<vmem>>) target_semaphore(%arg17 : memref<!tpu.dma_semaphore, #tpu.memory_space<semaphore_mem>>)
    %dma_start3A_8 = tpu.memref_slice %arg6[%mul3A_0] : memref<16384xi32, #tpu.memory_space<hbm>> -> memref<1024xi32, #tpu.memory_space<hbm>>
    %dma_start3A_9 = tpu.memref_slice %arg6[%mul3A_0] : memref<16384xi32, #tpu.memory_space<hbm>> -> memref<1024xi32, #tpu.memory_space<hbm>>
    tpu.enqueue_dma source(%dma_start3A_9 : memref<1024xi32, #tpu.memory_space<hbm>>) target(%arg12 : memref<1024xi32, #tpu.memory_space<vmem>>) target_semaphore(%arg17 : memref<!tpu.dma_semaphore, #tpu.memory_space<semaphore_mem>>)
    %dma_wait3A = tpu.memref_slice %arg2[%mul3A_0] : memref<16384xf32, #tpu.memory_space<hbm>> -> memref<1024xf32, #tpu.memory_space<hbm>>
    %dma_wait3A_10 = tpu.memref_slice %arg2[%mul3A_0] : memref<16384xf32, #tpu.memory_space<hbm>> -> memref<1024xf32, #tpu.memory_space<hbm>>
    tpu.wait_dma2 semaphore(%arg17 : memref<!tpu.dma_semaphore, #tpu.memory_space<semaphore_mem>>) src(%dma_wait3A_10 : memref<1024xf32, #tpu.memory_space<hbm>>) dst(%arg8 : memref<1024xf32, #tpu.memory_space<vmem>>)
    %dma_wait3A_11 = tpu.memref_slice %arg3[%mul3A_0] : memref<16384xf32, #tpu.memory_space<hbm>> -> memref<1024xf32, #tpu.memory_space<hbm>>
    %dma_wait3A_12 = tpu.memref_slice %arg3[%mul3A_0] : memref<16384xf32, #tpu.memory_space<hbm>> -> memref<1024xf32, #tpu.memory_space<hbm>>
    tpu.wait_dma2 semaphore(%arg17 : memref<!tpu.dma_semaphore, #tpu.memory_space<semaphore_mem>>) src(%dma_wait3A_12 : memref<1024xf32, #tpu.memory_space<hbm>>) dst(%arg9 : memref<1024xf32, #tpu.memory_space<vmem>>)
    %dma_wait3A_13 = tpu.memref_slice %arg4[%mul3A_0] : memref<16384xf32, #tpu.memory_space<hbm>> -> memref<1024xf32, #tpu.memory_space<hbm>>
    %dma_wait3A_14 = tpu.memref_slice %arg4[%mul3A_0] : memref<16384xf32, #tpu.memory_space<hbm>> -> memref<1024xf32, #tpu.memory_space<hbm>>
    tpu.wait_dma2 semaphore(%arg17 : memref<!tpu.dma_semaphore, #tpu.memory_space<semaphore_mem>>) src(%dma_wait3A_14 : memref<1024xf32, #tpu.memory_space<hbm>>) dst(%arg10 : memref<1024xf32, #tpu.memory_space<vmem>>)
    %dma_wait3A_15 = tpu.memref_slice %arg5[%mul3A_0] : memref<16384xi32, #tpu.memory_space<hbm>> -> memref<1024xi32, #tpu.memory_space<hbm>>
    %dma_wait3A_16 = tpu.memref_slice %arg5[%mul3A_0] : memref<16384xi32, #tpu.memory_space<hbm>> -> memref<1024xi32, #tpu.memory_space<hbm>>
    tpu.wait_dma2 semaphore(%arg17 : memref<!tpu.dma_semaphore, #tpu.memory_space<semaphore_mem>>) src(%dma_wait3A_16 : memref<1024xi32, #tpu.memory_space<hbm>>) dst(%arg11 : memref<1024xi32, #tpu.memory_space<vmem>>)
    %dma_wait3A_17 = tpu.memref_slice %arg6[%mul3A_0] : memref<16384xi32, #tpu.memory_space<hbm>> -> memref<1024xi32, #tpu.memory_space<hbm>>
    %dma_wait3A_18 = tpu.memref_slice %arg6[%mul3A_0] : memref<16384xi32, #tpu.memory_space<hbm>> -> memref<1024xi32, #tpu.memory_space<hbm>>
    tpu.wait_dma2 semaphore(%arg17 : memref<!tpu.dma_semaphore, #tpu.memory_space<semaphore_mem>>) src(%dma_wait3A_18 : memref<1024xi32, #tpu.memory_space<hbm>>) dst(%arg12 : memref<1024xi32, #tpu.memory_space<vmem>>)
    %broadcast_in_dim3A = arith.constant 0.000000e+00 : f32
    %broadcast_in_dim3A_19 = vector.broadcast %broadcast_in_dim3A : f32 to vector<16xf32>
    %scan3A = arith.constant 0 : i32
    %scan3A_20 = arith.constant 16 : i32
    %scan3A_21 = arith.addi %scan3A, %scan3A_20 : i32
    %scan3A_22 = arith.constant 1 : i32
    %scan3A_23:4 = scf.for %scan3A_50 = %scan3A to %scan3A_21 step %scan3A_22 iter_args(%scan3A_51 = %broadcast_in_dim3A_19, %scan3A_52 = %broadcast_in_dim3A_19, %scan3A_53 = %broadcast_in_dim3A_19, %scan3A_54 = %broadcast_in_dim3A_19) -> (vector<16xf32>, vector<16xf32>, vector<16xf32>, vector<16xf32>)  : i32 {
      %mul3A_55 = arith.constant 4 : i32
      %mul3A_56 = arith.muli %scan3A_50, %mul3A_55 : i32
      %add3A = arith.constant 0 : i32
      %add3A_57 = arith.addi %mul3A_56, %add3A : i32
      %mul3A_58 = arith.constant 16 : i32
      %mul3A_59 = arith.muli %add3A_57, %mul3A_58 : i32
      %get3A = arith.index_cast %mul3A_59 : i32 to index
      %get3A_60 = tpu.vector_load %arg8[%get3A] {strides = array<i32>} : memref<1024xf32, #tpu.memory_space<vmem>>, vector<16xf32>,
      %get3A_61 = vector.shape_cast %get3A_60 : vector<16xf32> to vector<16xf32>
      %get3A_62 = arith.index_cast %mul3A_59 : i32 to index
      %get3A_63 = tpu.vector_load %arg9[%get3A_62] {strides = array<i32>} : memref<1024xf32, #tpu.memory_space<vmem>>, vector<16xf32>,
      %get3A_64 = vector.shape_cast %get3A_63 : vector<16xf32> to vector<16xf32>
      %get3A_65 = arith.index_cast %mul3A_59 : i32 to index
      %get3A_66 = tpu.vector_load %arg10[%get3A_65] {strides = array<i32>} : memref<1024xf32, #tpu.memory_space<vmem>>, vector<16xf32>,
      %get3A_67 = vector.shape_cast %get3A_66 : vector<16xf32> to vector<16xf32>
      %get3A_68 = arith.index_cast %mul3A_59 : i32 to index
      %get3A_69 = tpu.vector_load %arg11[%get3A_68] {strides = array<i32>} : memref<1024xi32, #tpu.memory_space<vmem>>, vector<16xi32>,
      %get3A_70 = vector.shape_cast %get3A_69 : vector<16xi32> to vector<16xi32>
      %get3A_71 = arith.index_cast %mul3A_59 : i32 to index
      %get3A_72 = tpu.vector_load %arg12[%get3A_71] {strides = array<i32>} : memref<1024xi32, #tpu.memory_space<vmem>>, vector<16xi32>,
      %get3A_73 = vector.shape_cast %get3A_72 : vector<16xi32> to vector<16xi32>
      %eq3A_74 = arith.constant 2 : i32
      %eq3A_75 = vector.broadcast %eq3A_74 : i32 to vector<16xi32>
      %eq3A_76 = arith.cmpi eq, %get3A_73, %eq3A_75 : vector<16xi32>
      %lt3A = arith.cmpf olt, %get3A_64, %get3A_67 : vector<16xf32>
      %eq3A_77 = arith.constant 0 : i32
      %eq3A_78 = vector.broadcast %eq3A_77 : i32 to vector<16xi32>
      %eq3A_79 = arith.cmpi eq, %get3A_70, %eq3A_78 : vector<16xi32>
      %or3A = arith.ori %lt3A, %eq3A_79 : vector<16xi1>
      %and3A = arith.andi %eq3A_76, %or3A : vector<16xi1>
      %jit3A = arith.constant 1.000000e+00 : f32
      %jit3A_80 = arith.constant 0.000000e+00 : f32
      %broadcast_in_dim3A_81 = vector.broadcast %jit3A : f32 to vector<16xf32>
      %broadcast_in_dim3A_82 = vector.broadcast %jit3A_80 : f32 to vector<16xf32>
      %select_n3A = arith.select %and3A, %broadcast_in_dim3A_81, %broadcast_in_dim3A_82 : vector<16xi1>, vector<16xf32>
      %eq3A_83 = arith.constant 1 : i32
      %eq3A_84 = vector.broadcast %eq3A_83 : i32 to vector<16xi32>
      %eq3A_85 = arith.cmpi eq, %get3A_73, %eq3A_84 : vector<16xi32>
      %jit3A_86 = arith.constant 1.000000e+00 : f32
      %jit3A_87 = arith.constant 0.000000e+00 : f32
      %broadcast_in_dim3A_88 = vector.broadcast %jit3A_86 : f32 to vector<16xf32>
      %broadcast_in_dim3A_89 = vector.broadcast %jit3A_87 : f32 to vector<16xf32>
      %select_n3A_90 = arith.select %eq3A_85, %broadcast_in_dim3A_88, %broadcast_in_dim3A_89 : vector<16xi1>, vector<16xf32>
      %mul3A_91 = arith.mulf %get3A_61, %select_n3A : vector<16xf32>
      %add3A_92 = arith.addf %scan3A_51, %mul3A_91 : vector<16xf32>
      %add3A_93 = arith.addf %scan3A_52, %select_n3A : vector<16xf32>
      %mul3A_94 = arith.mulf %get3A_61, %select_n3A_90 : vector<16xf32>
      %add3A_95 = arith.addf %scan3A_53, %mul3A_94 : vector<16xf32>
      %add3A_96 = arith.addf %scan3A_54, %select_n3A_90 : vector<16xf32>
      %mul3A_97 = arith.constant 4 : i32
      %mul3A_98 = arith.muli %scan3A_50, %mul3A_97 : i32
      %add3A_99 = arith.constant 1 : i32
      %add3A_100 = arith.addi %mul3A_98, %add3A_99 : i32
      %mul3A_101 = arith.constant 16 : i32
      %mul3A_102 = arith.muli %add3A_100, %mul3A_101 : i32
      %get3A_103 = arith.index_cast %mul3A_102 : i32 to index
      %get3A_104 = tpu.vector_load %arg8[%get3A_103] {strides = array<i32>} : memref<1024xf32, #tpu.memory_space<vmem>>, vector<16xf32>,
      %get3A_105 = vector.shape_cast %get3A_104 : vector<16xf32> to vector<16xf32>
      %get3A_106 = arith.index_cast %mul3A_102 : i32 to index
      %get3A_107 = tpu.vector_load %arg9[%get3A_106] {strides = array<i32>} : memref<1024xf32, #tpu.memory_space<vmem>>, vector<16xf32>,
      %get3A_108 = vector.shape_cast %get3A_107 : vector<16xf32> to vector<16xf32>
      %get3A_109 = arith.index_cast %mul3A_102 : i32 to index
      %get3A_110 = tpu.vector_load %arg10[%get3A_109] {strides = array<i32>} : memref<1024xf32, #tpu.memory_space<vmem>>, vector<16xf32>,
      %get3A_111 = vector.shape_cast %get3A_110 : vector<16xf32> to vector<16xf32>
      %get3A_112 = arith.index_cast %mul3A_102 : i32 to index
      %get3A_113 = tpu.vector_load %arg11[%get3A_112] {strides = array<i32>} : memref<1024xi32, #tpu.memory_space<vmem>>, vector<16xi32>,
      %get3A_114 = vector.shape_cast %get3A_113 : vector<16xi32> to vector<16xi32>
      %get3A_115 = arith.index_cast %mul3A_102 : i32 to index
      %get3A_116 = tpu.vector_load %arg12[%get3A_115] {strides = array<i32>} : memref<1024xi32, #tpu.memory_space<vmem>>, vector<16xi32>,
      %get3A_117 = vector.shape_cast %get3A_116 : vector<16xi32> to vector<16xi32>
      %eq3A_118 = arith.constant 2 : i32
      %eq3A_119 = vector.broadcast %eq3A_118 : i32 to vector<16xi32>
      %eq3A_120 = arith.cmpi eq, %get3A_117, %eq3A_119 : vector<16xi32>
      %lt3A_121 = arith.cmpf olt, %get3A_108, %get3A_111 : vector<16xf32>
      %eq3A_122 = arith.constant 0 : i32
      %eq3A_123 = vector.broadcast %eq3A_122 : i32 to vector<16xi32>
      %eq3A_124 = arith.cmpi eq, %get3A_114, %eq3A_123 : vector<16xi32>
      %or3A_125 = arith.ori %lt3A_121, %eq3A_124 : vector<16xi1>
      %and3A_126 = arith.andi %eq3A_120, %or3A_125 : vector<16xi1>
      %jit3A_127 = arith.constant 1.000000e+00 : f32
      %jit3A_128 = arith.constant 0.000000e+00 : f32
      %broadcast_in_dim3A_129 = vector.broadcast %jit3A_127 : f32 to vector<16xf32>
      %broadcast_in_dim3A_130 = vector.broadcast %jit3A_128 : f32 to vector<16xf32>
      %select_n3A_131 = arith.select %and3A_126, %broadcast_in_dim3A_129, %broadcast_in_dim3A_130 : vector<16xi1>, vector<16xf32>
      %eq3A_132 = arith.constant 1 : i32
      %eq3A_133 = vector.broadcast %eq3A_132 : i32 to vector<16xi32>
      %eq3A_134 = arith.cmpi eq, %get3A_117, %eq3A_133 : vector<16xi32>
      %jit3A_135 = arith.constant 1.000000e+00 : f32
      %jit3A_136 = arith.constant 0.000000e+00 : f32
      %broadcast_in_dim3A_137 = vector.broadcast %jit3A_135 : f32 to vector<16xf32>
      %broadcast_in_dim3A_138 = vector.broadcast %jit3A_136 : f32 to vector<16xf32>
      %select_n3A_139 = arith.select %eq3A_134, %broadcast_in_dim3A_137, %broadcast_in_dim3A_138 : vector<16xi1>, vector<16xf32>
      %mul3A_140 = arith.mulf %get3A_105, %select_n3A_131 : vector<16xf32>
      %add3A_141 = arith.addf %add3A_92, %mul3A_140 : vector<16xf32>
      %add3A_142 = arith.addf %add3A_93, %select_n3A_131 : vector<16xf32>
      %mul3A_143 = arith.mulf %get3A_105, %select_n3A_139 : vector<16xf32>
      %add3A_144 = arith.addf %add3A_95, %mul3A_143 : vector<16xf32>
      %add3A_145 = arith.addf %add3A_96, %select_n3A_139 : vector<16xf32>
      %mul3A_146 = arith.constant 4 : i32
      %mul3A_147 = arith.muli %scan3A_50, %mul3A_146 : i32
      %add3A_148 = arith.constant 2 : i32
      %add3A_149 = arith.addi %mul3A_147, %add3A_148 : i32
      %mul3A_150 = arith.constant 16 : i32
      %mul3A_151 = arith.muli %add3A_149, %mul3A_150 : i32
      %get3A_152 = arith.index_cast %mul3A_151 : i32 to index
      %get3A_153 = tpu.vector_load %arg8[%get3A_152] {strides = array<i32>} : memref<1024xf32, #tpu.memory_space<vmem>>, vector<16xf32>,
      %get3A_154 = vector.shape_cast %get3A_153 : vector<16xf32> to vector<16xf32>
      %get3A_155 = arith.index_cast %mul3A_151 : i32 to index
      %get3A_156 = tpu.vector_load %arg9[%get3A_155] {strides = array<i32>} : memref<1024xf32, #tpu.memory_space<vmem>>, vector<16xf32>,
      %get3A_157 = vector.shape_cast %get3A_156 : vector<16xf32> to vector<16xf32>
      %get3A_158 = arith.index_cast %mul3A_151 : i32 to index
      %get3A_159 = tpu.vector_load %arg10[%get3A_158] {strides = array<i32>} : memref<1024xf32, #tpu.memory_space<vmem>>, vector<16xf32>,
      %get3A_160 = vector.shape_cast %get3A_159 : vector<16xf32> to vector<16xf32>
      %get3A_161 = arith.index_cast %mul3A_151 : i32 to index
      %get3A_162 = tpu.vector_load %arg11[%get3A_161] {strides = array<i32>} : memref<1024xi32, #tpu.memory_space<vmem>>, vector<16xi32>,
      %get3A_163 = vector.shape_cast %get3A_162 : vector<16xi32> to vector<16xi32>
      %get3A_164 = arith.index_cast %mul3A_151 : i32 to index
      %get3A_165 = tpu.vector_load %arg12[%get3A_164] {strides = array<i32>} : memref<1024xi32, #tpu.memory_space<vmem>>, vector<16xi32>,
      %get3A_166 = vector.shape_cast %get3A_165 : vector<16xi32> to vector<16xi32>
      %eq3A_167 = arith.constant 2 : i32
      %eq3A_168 = vector.broadcast %eq3A_167 : i32 to vector<16xi32>
      %eq3A_169 = arith.cmpi eq, %get3A_166, %eq3A_168 : vector<16xi32>
      %lt3A_170 = arith.cmpf olt, %get3A_157, %get3A_160 : vector<16xf32>
      %eq3A_171 = arith.constant 0 : i32
      %eq3A_172 = vector.broadcast %eq3A_171 : i32 to vector<16xi32>
      %eq3A_173 = arith.cmpi eq, %get3A_163, %eq3A_172 : vector<16xi32>
      %or3A_174 = arith.ori %lt3A_170, %eq3A_173 : vector<16xi1>
      %and3A_175 = arith.andi %eq3A_169, %or3A_174 : vector<16xi1>
      %jit3A_176 = arith.constant 1.000000e+00 : f32
      %jit3A_177 = arith.constant 0.000000e+00 : f32
      %broadcast_in_dim3A_178 = vector.broadcast %jit3A_176 : f32 to vector<16xf32>
      %broadcast_in_dim3A_179 = vector.broadcast %jit3A_177 : f32 to vector<16xf32>
      %select_n3A_180 = arith.select %and3A_175, %broadcast_in_dim3A_178, %broadcast_in_dim3A_179 : vector<16xi1>, vector<16xf32>
      %eq3A_181 = arith.constant 1 : i32
      %eq3A_182 = vector.broadcast %eq3A_181 : i32 to vector<16xi32>
      %eq3A_183 = arith.cmpi eq, %get3A_166, %eq3A_182 : vector<16xi32>
      %jit3A_184 = arith.constant 1.000000e+00 : f32
      %jit3A_185 = arith.constant 0.000000e+00 : f32
      %broadcast_in_dim3A_186 = vector.broadcast %jit3A_184 : f32 to vector<16xf32>
      %broadcast_in_dim3A_187 = vector.broadcast %jit3A_185 : f32 to vector<16xf32>
      %select_n3A_188 = arith.select %eq3A_183, %broadcast_in_dim3A_186, %broadcast_in_dim3A_187 : vector<16xi1>, vector<16xf32>
      %mul3A_189 = arith.mulf %get3A_154, %select_n3A_180 : vector<16xf32>
      %add3A_190 = arith.addf %add3A_141, %mul3A_189 : vector<16xf32>
      %add3A_191 = arith.addf %add3A_142, %select_n3A_180 : vector<16xf32>
      %mul3A_192 = arith.mulf %get3A_154, %select_n3A_188 : vector<16xf32>
      %add3A_193 = arith.addf %add3A_144, %mul3A_192 : vector<16xf32>
      %add3A_194 = arith.addf %add3A_145, %select_n3A_188 : vector<16xf32>
      %mul3A_195 = arith.constant 4 : i32
      %mul3A_196 = arith.muli %scan3A_50, %mul3A_195 : i32
      %add3A_197 = arith.constant 3 : i32
      %add3A_198 = arith.addi %mul3A_196, %add3A_197 : i32
      %mul3A_199 = arith.constant 16 : i32
      %mul3A_200 = arith.muli %add3A_198, %mul3A_199 : i32
      %get3A_201 = arith.index_cast %mul3A_200 : i32 to index
      %get3A_202 = tpu.vector_load %arg8[%get3A_201] {strides = array<i32>} : memref<1024xf32, #tpu.memory_space<vmem>>, vector<16xf32>,
      %get3A_203 = vector.shape_cast %get3A_202 : vector<16xf32> to vector<16xf32>
      %get3A_204 = arith.index_cast %mul3A_200 : i32 to index
      %get3A_205 = tpu.vector_load %arg9[%get3A_204] {strides = array<i32>} : memref<1024xf32, #tpu.memory_space<vmem>>, vector<16xf32>,
      %get3A_206 = vector.shape_cast %get3A_205 : vector<16xf32> to vector<16xf32>
      %get3A_207 = arith.index_cast %mul3A_200 : i32 to index
      %get3A_208 = tpu.vector_load %arg10[%get3A_207] {strides = array<i32>} : memref<1024xf32, #tpu.memory_space<vmem>>, vector<16xf32>,
      %get3A_209 = vector.shape_cast %get3A_208 : vector<16xf32> to vector<16xf32>
      %get3A_210 = arith.index_cast %mul3A_200 : i32 to index
      %get3A_211 = tpu.vector_load %arg11[%get3A_210] {strides = array<i32>} : memref<1024xi32, #tpu.memory_space<vmem>>, vector<16xi32>,
      %get3A_212 = vector.shape_cast %get3A_211 : vector<16xi32> to vector<16xi32>
      %get3A_213 = arith.index_cast %mul3A_200 : i32 to index
      %get3A_214 = tpu.vector_load %arg12[%get3A_213] {strides = array<i32>} : memref<1024xi32, #tpu.memory_space<vmem>>, vector<16xi32>,
      %get3A_215 = vector.shape_cast %get3A_214 : vector<16xi32> to vector<16xi32>
      %eq3A_216 = arith.constant 2 : i32
      %eq3A_217 = vector.broadcast %eq3A_216 : i32 to vector<16xi32>
      %eq3A_218 = arith.cmpi eq, %get3A_215, %eq3A_217 : vector<16xi32>
      %lt3A_219 = arith.cmpf olt, %get3A_206, %get3A_209 : vector<16xf32>
      %eq3A_220 = arith.constant 0 : i32
      %eq3A_221 = vector.broadcast %eq3A_220 : i32 to vector<16xi32>
      %eq3A_222 = arith.cmpi eq, %get3A_212, %eq3A_221 : vector<16xi32>
      %or3A_223 = arith.ori %lt3A_219, %eq3A_222 : vector<16xi1>
      %and3A_224 = arith.andi %eq3A_218, %or3A_223 : vector<16xi1>
      %jit3A_225 = arith.constant 1.000000e+00 : f32
      %jit3A_226 = arith.constant 0.000000e+00 : f32
      %broadcast_in_dim3A_227 = vector.broadcast %jit3A_225 : f32 to vector<16xf32>
      %broadcast_in_dim3A_228 = vector.broadcast %jit3A_226 : f32 to vector<16xf32>
      %select_n3A_229 = arith.select %and3A_224, %broadcast_in_dim3A_227, %broadcast_in_dim3A_228 : vector<16xi1>, vector<16xf32>
      %eq3A_230 = arith.constant 1 : i32
      %eq3A_231 = vector.broadcast %eq3A_230 : i32 to vector<16xi32>
      %eq3A_232 = arith.cmpi eq, %get3A_215, %eq3A_231 : vector<16xi32>
      %jit3A_233 = arith.constant 1.000000e+00 : f32
      %jit3A_234 = arith.constant 0.000000e+00 : f32
      %broadcast_in_dim3A_235 = vector.broadcast %jit3A_233 : f32 to vector<16xf32>
      %broadcast_in_dim3A_236 = vector.broadcast %jit3A_234 : f32 to vector<16xf32>
      %select_n3A_237 = arith.select %eq3A_232, %broadcast_in_dim3A_235, %broadcast_in_dim3A_236 : vector<16xi1>, vector<16xf32>
      %mul3A_238 = arith.mulf %get3A_203, %select_n3A_229 : vector<16xf32>
      %add3A_239 = arith.addf %add3A_190, %mul3A_238 : vector<16xf32>
      %add3A_240 = arith.addf %add3A_191, %select_n3A_229 : vector<16xf32>
      %mul3A_241 = arith.mulf %get3A_203, %select_n3A_237 : vector<16xf32>
      %add3A_242 = arith.addf %add3A_193, %mul3A_241 : vector<16xf32>
      %add3A_243 = arith.addf %add3A_194, %select_n3A_237 : vector<16xf32>
      scf.yield %add3A_239, %add3A_240, %add3A_242, %add3A_243 : vector<16xf32>, vector<16xf32>, vector<16xf32>, vector<16xf32>
    }
    %scan3A_24 = arith.constant 16 : i32
    %swap3A = arith.constant 0 : i32
    %swap3A_25 = arith.index_cast %swap3A : i32 to index
    %swap3A_26 = arith.constant 0 : index
    %swap3A_27 = tpu.vector_load %arg13[%swap3A_25, %swap3A_26] {strides = array<i32>} : memref<4x16xf32, #tpu.memory_space<vmem>>, vector<1x16xf32>,
    %swap3A_28 = vector.shape_cast %swap3A_27 : vector<1x16xf32> to vector<16xf32>
    %swap3A_29 = vector.shape_cast %scan3A_23#0 : vector<16xf32> to vector<1x16xf32>
    tpu.vector_store %arg13[%swap3A_25, %swap3A_26], %swap3A_29 {strides = array<i32>} : memref<4x16xf32, #tpu.memory_space<vmem>>, vector<1x16xf32>,
    %swap3A_30 = arith.constant 1 : i32
    %swap3A_31 = arith.index_cast %swap3A_30 : i32 to index
    %swap3A_32 = arith.constant 0 : index
    %swap3A_33 = tpu.vector_load %arg13[%swap3A_31, %swap3A_32] {strides = array<i32>} : memref<4x16xf32, #tpu.memory_space<vmem>>, vector<1x16xf32>,
    %swap3A_34 = vector.shape_cast %swap3A_33 : vector<1x16xf32> to vector<16xf32>
    %swap3A_35 = vector.shape_cast %scan3A_23#1 : vector<16xf32> to vector<1x16xf32>
    tpu.vector_store %arg13[%swap3A_31, %swap3A_32], %swap3A_35 {strides = array<i32>} : memref<4x16xf32, #tpu.memory_space<vmem>>, vector<1x16xf32>,
    %swap3A_36 = arith.constant 2 : i32
    %swap3A_37 = arith.index_cast %swap3A_36 : i32 to index
    %swap3A_38 = arith.constant 0 : index
    %swap3A_39 = tpu.vector_load %arg13[%swap3A_37, %swap3A_38] {strides = array<i32>} : memref<4x16xf32, #tpu.memory_space<vmem>>, vector<1x16xf32>,
    %swap3A_40 = vector.shape_cast %swap3A_39 : vector<1x16xf32> to vector<16xf32>
    %swap3A_41 = vector.shape_cast %scan3A_23#2 : vector<16xf32> to vector<1x16xf32>
    tpu.vector_store %arg13[%swap3A_37, %swap3A_38], %swap3A_41 {strides = array<i32>} : memref<4x16xf32, #tpu.memory_space<vmem>>, vector<1x16xf32>,
    %swap3A_42 = arith.constant 3 : i32
    %swap3A_43 = arith.index_cast %swap3A_42 : i32 to index
    %swap3A_44 = arith.constant 0 : index
    %swap3A_45 = tpu.vector_load %arg13[%swap3A_43, %swap3A_44] {strides = array<i32>} : memref<4x16xf32, #tpu.memory_space<vmem>>, vector<1x16xf32>,
    %swap3A_46 = vector.shape_cast %swap3A_45 : vector<1x16xf32> to vector<16xf32>
    %swap3A_47 = vector.shape_cast %scan3A_23#3 : vector<16xf32> to vector<1x16xf32>
    tpu.vector_store %arg13[%swap3A_43, %swap3A_44], %swap3A_47 {strides = array<i32>} : memref<4x16xf32, #tpu.memory_space<vmem>>, vector<1x16xf32>,
    "tpu.region"() ({
      %run_scoped3A = tpu.sem_alloc : memref<!tpu.dma_semaphore, #tpu.memory_space<semaphore_mem>>
      %dma_start3A_50 = arith.constant 0 : i32
      %dma_start3A_51 = arith.constant 0 : i32
      %dma_start3A_52 = tpu.memref_slice %arg16[%arg1, %dma_start3A_50, %dma_start3A_51] : memref<16x4x16xf32, #tpu.memory_space<vmem_shared>> -> memref<1x4x16xf32, #tpu.memory_space<vmem_shared>>
      %dma_start3A_53 = tpu.memref_squeeze %dma_start3A_52 : memref<1x4x16xf32, #tpu.memory_space<vmem_shared>> -> memref<4x16xf32, #tpu.memory_space<vmem_shared>>
      %dma_start3A_54 = arith.constant 0 : i32
      %dma_start3A_55 = arith.constant 0 : i32
      %dma_start3A_56 = tpu.memref_slice %arg16[%arg1, %dma_start3A_54, %dma_start3A_55] : memref<16x4x16xf32, #tpu.memory_space<vmem_shared>> -> memref<1x4x16xf32, #tpu.memory_space<vmem_shared>>
      %dma_start3A_57 = tpu.memref_squeeze %dma_start3A_56 : memref<1x4x16xf32, #tpu.memory_space<vmem_shared>> -> memref<4x16xf32, #tpu.memory_space<vmem_shared>>
      tpu.enqueue_dma source(%arg13 : memref<4x16xf32, #tpu.memory_space<vmem>>) target(%dma_start3A_57 : memref<4x16xf32, #tpu.memory_space<vmem_shared>>) target_semaphore(%run_scoped3A : memref<!tpu.dma_semaphore, #tpu.memory_space<semaphore_mem>>)
      %dma_wait3A_58 = arith.constant 0 : i32
      %dma_wait3A_59 = arith.constant 0 : i32
      %dma_wait3A_60 = tpu.memref_slice %arg16[%arg1, %dma_wait3A_58, %dma_wait3A_59] : memref<16x4x16xf32, #tpu.memory_space<vmem_shared>> -> memref<1x4x16xf32, #tpu.memory_space<vmem_shared>>
      %dma_wait3A_61 = tpu.memref_squeeze %dma_wait3A_60 : memref<1x4x16xf32, #tpu.memory_space<vmem_shared>> -> memref<4x16xf32, #tpu.memory_space<vmem_shared>>
      %dma_wait3A_62 = arith.constant 0 : i32
      %dma_wait3A_63 = arith.constant 0 : i32
      %dma_wait3A_64 = tpu.memref_slice %arg16[%arg1, %dma_wait3A_62, %dma_wait3A_63] : memref<16x4x16xf32, #tpu.memory_space<vmem_shared>> -> memref<1x4x16xf32, #tpu.memory_space<vmem_shared>>
      %dma_wait3A_65 = tpu.memref_squeeze %dma_wait3A_64 : memref<1x4x16xf32, #tpu.memory_space<vmem_shared>> -> memref<4x16xf32, #tpu.memory_space<vmem_shared>>
      tpu.wait_dma2 semaphore(%run_scoped3A : memref<!tpu.dma_semaphore, #tpu.memory_space<semaphore_mem>>) src(%arg13 : memref<4x16xf32, #tpu.memory_space<vmem>>) dst(%dma_wait3A_65 : memref<4x16xf32, #tpu.memory_space<vmem_shared>>)
      tpu.yield
    }) : () -> ()
    %barrier3A = arith.constant 0 : index
    tpu.barrier barrier_id(%barrier3A)
    %eq3A = arith.constant 0 : i32
    %eq3A_48 = arith.cmpi eq, %arg1, %eq3A : i32
    %convert_element_type3A = arith.extui %eq3A_48 : i1 to i32
    %cond3A = arith.constant 0 : i32
    %cond3A_49 = arith.cmpi ne, %convert_element_type3A, %cond3A : i32
    scf.if %cond3A_49 {
      "tpu.region"() ({
        %run_scoped3A = tpu.sem_alloc : memref<!tpu.dma_semaphore, #tpu.memory_space<semaphore_mem>>
        tpu.enqueue_dma source(%arg16 : memref<16x4x16xf32, #tpu.memory_space<vmem_shared>>) target(%arg14 : memref<16x4x16xf32, #tpu.memory_space<vmem>>) target_semaphore(%run_scoped3A : memref<!tpu.dma_semaphore, #tpu.memory_space<semaphore_mem>>)
        tpu.wait_dma2 semaphore(%run_scoped3A : memref<!tpu.dma_semaphore, #tpu.memory_space<semaphore_mem>>) src(%arg16 : memref<16x4x16xf32, #tpu.memory_space<vmem_shared>>) dst(%arg14 : memref<16x4x16xf32, #tpu.memory_space<vmem>>)
        tpu.yield
      }) : () -> ()
      %get3A = arith.constant 0 : i32
      %get3A_50 = arith.constant 0 : i32
      %get3A_51 = arith.index_cast %get3A : i32 to index
      %get3A_52 = arith.index_cast %get3A_50 : i32 to index
      %get3A_53 = arith.constant 0 : index
      %get3A_54 = tpu.vector_load %arg14[%get3A_51, %get3A_52, %get3A_53] {strides = array<i32>} : memref<16x4x16xf32, #tpu.memory_space<vmem>>, vector<1x1x16xf32>,
      %get3A_55 = vector.shape_cast %get3A_54 : vector<1x1x16xf32> to vector<16xf32>
      %get3A_56 = arith.constant 1 : i32
      %get3A_57 = arith.constant 0 : i32
      %get3A_58 = arith.index_cast %get3A_56 : i32 to index
      %get3A_59 = arith.index_cast %get3A_57 : i32 to index
      %get3A_60 = arith.constant 0 : index
      %get3A_61 = tpu.vector_load %arg14[%get3A_58, %get3A_59, %get3A_60] {strides = array<i32>} : memref<16x4x16xf32, #tpu.memory_space<vmem>>, vector<1x1x16xf32>,
      %get3A_62 = vector.shape_cast %get3A_61 : vector<1x1x16xf32> to vector<16xf32>
      %add3A = arith.addf %get3A_55, %get3A_62 : vector<16xf32>
      %get3A_63 = arith.constant 2 : i32
      %get3A_64 = arith.constant 0 : i32
      %get3A_65 = arith.index_cast %get3A_63 : i32 to index
      %get3A_66 = arith.index_cast %get3A_64 : i32 to index
      %get3A_67 = arith.constant 0 : index
      %get3A_68 = tpu.vector_load %arg14[%get3A_65, %get3A_66, %get3A_67] {strides = array<i32>} : memref<16x4x16xf32, #tpu.memory_space<vmem>>, vector<1x1x16xf32>,
      %get3A_69 = vector.shape_cast %get3A_68 : vector<1x1x16xf32> to vector<16xf32>
      %add3A_70 = arith.addf %add3A, %get3A_69 : vector<16xf32>
      %get3A_71 = arith.constant 3 : i32
      %get3A_72 = arith.constant 0 : i32
      %get3A_73 = arith.index_cast %get3A_71 : i32 to index
      %get3A_74 = arith.index_cast %get3A_72 : i32 to index
      %get3A_75 = arith.constant 0 : index
      %get3A_76 = tpu.vector_load %arg14[%get3A_73, %get3A_74, %get3A_75] {strides = array<i32>} : memref<16x4x16xf32, #tpu.memory_space<vmem>>, vector<1x1x16xf32>,
      %get3A_77 = vector.shape_cast %get3A_76 : vector<1x1x16xf32> to vector<16xf32>
      %add3A_78 = arith.addf %add3A_70, %get3A_77 : vector<16xf32>
      %get3A_79 = arith.constant 4 : i32
      %get3A_80 = arith.constant 0 : i32
      %get3A_81 = arith.index_cast %get3A_79 : i32 to index
      %get3A_82 = arith.index_cast %get3A_80 : i32 to index
      %get3A_83 = arith.constant 0 : index
      %get3A_84 = tpu.vector_load %arg14[%get3A_81, %get3A_82, %get3A_83] {strides = array<i32>} : memref<16x4x16xf32, #tpu.memory_space<vmem>>, vector<1x1x16xf32>,
      %get3A_85 = vector.shape_cast %get3A_84 : vector<1x1x16xf32> to vector<16xf32>
      %add3A_86 = arith.addf %add3A_78, %get3A_85 : vector<16xf32>
      %get3A_87 = arith.constant 5 : i32
      %get3A_88 = arith.constant 0 : i32
      %get3A_89 = arith.index_cast %get3A_87 : i32 to index
      %get3A_90 = arith.index_cast %get3A_88 : i32 to index
      %get3A_91 = arith.constant 0 : index
      %get3A_92 = tpu.vector_load %arg14[%get3A_89, %get3A_90, %get3A_91] {strides = array<i32>} : memref<16x4x16xf32, #tpu.memory_space<vmem>>, vector<1x1x16xf32>,
      %get3A_93 = vector.shape_cast %get3A_92 : vector<1x1x16xf32> to vector<16xf32>
      %add3A_94 = arith.addf %add3A_86, %get3A_93 : vector<16xf32>
      %get3A_95 = arith.constant 6 : i32
      %get3A_96 = arith.constant 0 : i32
      %get3A_97 = arith.index_cast %get3A_95 : i32 to index
      %get3A_98 = arith.index_cast %get3A_96 : i32 to index
      %get3A_99 = arith.constant 0 : index
      %get3A_100 = tpu.vector_load %arg14[%get3A_97, %get3A_98, %get3A_99] {strides = array<i32>} : memref<16x4x16xf32, #tpu.memory_space<vmem>>, vector<1x1x16xf32>,
      %get3A_101 = vector.shape_cast %get3A_100 : vector<1x1x16xf32> to vector<16xf32>
      %add3A_102 = arith.addf %add3A_94, %get3A_101 : vector<16xf32>
      %get3A_103 = arith.constant 7 : i32
      %get3A_104 = arith.constant 0 : i32
      %get3A_105 = arith.index_cast %get3A_103 : i32 to index
      %get3A_106 = arith.index_cast %get3A_104 : i32 to index
      %get3A_107 = arith.constant 0 : index
      %get3A_108 = tpu.vector_load %arg14[%get3A_105, %get3A_106, %get3A_107] {strides = array<i32>} : memref<16x4x16xf32, #tpu.memory_space<vmem>>, vector<1x1x16xf32>,
      %get3A_109 = vector.shape_cast %get3A_108 : vector<1x1x16xf32> to vector<16xf32>
      %add3A_110 = arith.addf %add3A_102, %get3A_109 : vector<16xf32>
      %get3A_111 = arith.constant 8 : i32
      %get3A_112 = arith.constant 0 : i32
      %get3A_113 = arith.index_cast %get3A_111 : i32 to index
      %get3A_114 = arith.index_cast %get3A_112 : i32 to index
      %get3A_115 = arith.constant 0 : index
      %get3A_116 = tpu.vector_load %arg14[%get3A_113, %get3A_114, %get3A_115] {strides = array<i32>} : memref<16x4x16xf32, #tpu.memory_space<vmem>>, vector<1x1x16xf32>,
      %get3A_117 = vector.shape_cast %get3A_116 : vector<1x1x16xf32> to vector<16xf32>
      %add3A_118 = arith.addf %add3A_110, %get3A_117 : vector<16xf32>
      %get3A_119 = arith.constant 9 : i32
      %get3A_120 = arith.constant 0 : i32
      %get3A_121 = arith.index_cast %get3A_119 : i32 to index
      %get3A_122 = arith.index_cast %get3A_120 : i32 to index
      %get3A_123 = arith.constant 0 : index
      %get3A_124 = tpu.vector_load %arg14[%get3A_121, %get3A_122, %get3A_123] {strides = array<i32>} : memref<16x4x16xf32, #tpu.memory_space<vmem>>, vector<1x1x16xf32>,
      %get3A_125 = vector.shape_cast %get3A_124 : vector<1x1x16xf32> to vector<16xf32>
      %add3A_126 = arith.addf %add3A_118, %get3A_125 : vector<16xf32>
      %get3A_127 = arith.constant 10 : i32
      %get3A_128 = arith.constant 0 : i32
      %get3A_129 = arith.index_cast %get3A_127 : i32 to index
      %get3A_130 = arith.index_cast %get3A_128 : i32 to index
      %get3A_131 = arith.constant 0 : index
      %get3A_132 = tpu.vector_load %arg14[%get3A_129, %get3A_130, %get3A_131] {strides = array<i32>} : memref<16x4x16xf32, #tpu.memory_space<vmem>>, vector<1x1x16xf32>,
      %get3A_133 = vector.shape_cast %get3A_132 : vector<1x1x16xf32> to vector<16xf32>
      %add3A_134 = arith.addf %add3A_126, %get3A_133 : vector<16xf32>
      %get3A_135 = arith.constant 11 : i32
      %get3A_136 = arith.constant 0 : i32
      %get3A_137 = arith.index_cast %get3A_135 : i32 to index
      %get3A_138 = arith.index_cast %get3A_136 : i32 to index
      %get3A_139 = arith.constant 0 : index
      %get3A_140 = tpu.vector_load %arg14[%get3A_137, %get3A_138, %get3A_139] {strides = array<i32>} : memref<16x4x16xf32, #tpu.memory_space<vmem>>, vector<1x1x16xf32>,
      %get3A_141 = vector.shape_cast %get3A_140 : vector<1x1x16xf32> to vector<16xf32>
      %add3A_142 = arith.addf %add3A_134, %get3A_141 : vector<16xf32>
      %get3A_143 = arith.constant 12 : i32
      %get3A_144 = arith.constant 0 : i32
      %get3A_145 = arith.index_cast %get3A_143 : i32 to index
      %get3A_146 = arith.index_cast %get3A_144 : i32 to index
      %get3A_147 = arith.constant 0 : index
      %get3A_148 = tpu.vector_load %arg14[%get3A_145, %get3A_146, %get3A_147] {strides = array<i32>} : memref<16x4x16xf32, #tpu.memory_space<vmem>>, vector<1x1x16xf32>,
      %get3A_149 = vector.shape_cast %get3A_148 : vector<1x1x16xf32> to vector<16xf32>
      %add3A_150 = arith.addf %add3A_142, %get3A_149 : vector<16xf32>
      %get3A_151 = arith.constant 13 : i32
      %get3A_152 = arith.constant 0 : i32
      %get3A_153 = arith.index_cast %get3A_151 : i32 to index
      %get3A_154 = arith.index_cast %get3A_152 : i32 to index
      %get3A_155 = arith.constant 0 : index
      %get3A_156 = tpu.vector_load %arg14[%get3A_153, %get3A_154, %get3A_155] {strides = array<i32>} : memref<16x4x16xf32, #tpu.memory_space<vmem>>, vector<1x1x16xf32>,
      %get3A_157 = vector.shape_cast %get3A_156 : vector<1x1x16xf32> to vector<16xf32>
      %add3A_158 = arith.addf %add3A_150, %get3A_157 : vector<16xf32>
      %get3A_159 = arith.constant 14 : i32
      %get3A_160 = arith.constant 0 : i32
      %get3A_161 = arith.index_cast %get3A_159 : i32 to index
      %get3A_162 = arith.index_cast %get3A_160 : i32 to index
      %get3A_163 = arith.constant 0 : index
      %get3A_164 = tpu.vector_load %arg14[%get3A_161, %get3A_162, %get3A_163] {strides = array<i32>} : memref<16x4x16xf32, #tpu.memory_space<vmem>>, vector<1x1x16xf32>,
      %get3A_165 = vector.shape_cast %get3A_164 : vector<1x1x16xf32> to vector<16xf32>
      %add3A_166 = arith.addf %add3A_158, %get3A_165 : vector<16xf32>
      %get3A_167 = arith.constant 15 : i32
      %get3A_168 = arith.constant 0 : i32
      %get3A_169 = arith.index_cast %get3A_167 : i32 to index
      %get3A_170 = arith.index_cast %get3A_168 : i32 to index
      %get3A_171 = arith.constant 0 : index
      %get3A_172 = tpu.vector_load %arg14[%get3A_169, %get3A_170, %get3A_171] {strides = array<i32>} : memref<16x4x16xf32, #tpu.memory_space<vmem>>, vector<1x1x16xf32>,
      %get3A_173 = vector.shape_cast %get3A_172 : vector<1x1x16xf32> to vector<16xf32>
      %add3A_174 = arith.addf %add3A_166, %get3A_173 : vector<16xf32>
      %slice3A = vector.extract_strided_slice %add3A_174 {offsets = [0], sizes = [1], strides = [1]} : vector<16xf32> to vector<1xf32>
      %squeeze3A = vector.extract %slice3A[0] : f32 from vector<1xf32>
      %slice3A_175 = vector.extract_strided_slice %add3A_174 {offsets = [1], sizes = [1], strides = [1]} : vector<16xf32> to vector<1xf32>
      %squeeze3A_176 = vector.extract %slice3A_175[0] : f32 from vector<1xf32>
      %add3A_177 = arith.addf %squeeze3A, %squeeze3A_176 : f32
      %slice3A_178 = vector.extract_strided_slice %add3A_174 {offsets = [2], sizes = [1], strides = [1]} : vector<16xf32> to vector<1xf32>
      %squeeze3A_179 = vector.extract %slice3A_178[0] : f32 from vector<1xf32>
      %add3A_180 = arith.addf %add3A_177, %squeeze3A_179 : f32
      %slice3A_181 = vector.extract_strided_slice %add3A_174 {offsets = [3], sizes = [1], strides = [1]} : vector<16xf32> to vector<1xf32>
      %squeeze3A_182 = vector.extract %slice3A_181[0] : f32 from vector<1xf32>
      %add3A_183 = arith.addf %add3A_180, %squeeze3A_182 : f32
      %slice3A_184 = vector.extract_strided_slice %add3A_174 {offsets = [4], sizes = [1], strides = [1]} : vector<16xf32> to vector<1xf32>
      %squeeze3A_185 = vector.extract %slice3A_184[0] : f32 from vector<1xf32>
      %add3A_186 = arith.addf %add3A_183, %squeeze3A_185 : f32
      %slice3A_187 = vector.extract_strided_slice %add3A_174 {offsets = [5], sizes = [1], strides = [1]} : vector<16xf32> to vector<1xf32>
      %squeeze3A_188 = vector.extract %slice3A_187[0] : f32 from vector<1xf32>
      %add3A_189 = arith.addf %add3A_186, %squeeze3A_188 : f32
      %slice3A_190 = vector.extract_strided_slice %add3A_174 {offsets = [6], sizes = [1], strides = [1]} : vector<16xf32> to vector<1xf32>
      %squeeze3A_191 = vector.extract %slice3A_190[0] : f32 from vector<1xf32>
      %add3A_192 = arith.addf %add3A_189, %squeeze3A_191 : f32
      %slice3A_193 = vector.extract_strided_slice %add3A_174 {offsets = [7], sizes = [1], strides = [1]} : vector<16xf32> to vector<1xf32>
      %squeeze3A_194 = vector.extract %slice3A_193[0] : f32 from vector<1xf32>
      %add3A_195 = arith.addf %add3A_192, %squeeze3A_194 : f32
      %slice3A_196 = vector.extract_strided_slice %add3A_174 {offsets = [8], sizes = [1], strides = [1]} : vector<16xf32> to vector<1xf32>
      %squeeze3A_197 = vector.extract %slice3A_196[0] : f32 from vector<1xf32>
      %add3A_198 = arith.addf %add3A_195, %squeeze3A_197 : f32
      %slice3A_199 = vector.extract_strided_slice %add3A_174 {offsets = [9], sizes = [1], strides = [1]} : vector<16xf32> to vector<1xf32>
      %squeeze3A_200 = vector.extract %slice3A_199[0] : f32 from vector<1xf32>
      %add3A_201 = arith.addf %add3A_198, %squeeze3A_200 : f32
      %slice3A_202 = vector.extract_strided_slice %add3A_174 {offsets = [10], sizes = [1], strides = [1]} : vector<16xf32> to vector<1xf32>
      %squeeze3A_203 = vector.extract %slice3A_202[0] : f32 from vector<1xf32>
      %add3A_204 = arith.addf %add3A_201, %squeeze3A_203 : f32
      %slice3A_205 = vector.extract_strided_slice %add3A_174 {offsets = [11], sizes = [1], strides = [1]} : vector<16xf32> to vector<1xf32>
      %squeeze3A_206 = vector.extract %slice3A_205[0] : f32 from vector<1xf32>
      %add3A_207 = arith.addf %add3A_204, %squeeze3A_206 : f32
      %slice3A_208 = vector.extract_strided_slice %add3A_174 {offsets = [12], sizes = [1], strides = [1]} : vector<16xf32> to vector<1xf32>
      %squeeze3A_209 = vector.extract %slice3A_208[0] : f32 from vector<1xf32>
      %add3A_210 = arith.addf %add3A_207, %squeeze3A_209 : f32
      %slice3A_211 = vector.extract_strided_slice %add3A_174 {offsets = [13], sizes = [1], strides = [1]} : vector<16xf32> to vector<1xf32>
      %squeeze3A_212 = vector.extract %slice3A_211[0] : f32 from vector<1xf32>
      %add3A_213 = arith.addf %add3A_210, %squeeze3A_212 : f32
      %slice3A_214 = vector.extract_strided_slice %add3A_174 {offsets = [14], sizes = [1], strides = [1]} : vector<16xf32> to vector<1xf32>
      %squeeze3A_215 = vector.extract %slice3A_214[0] : f32 from vector<1xf32>
      %add3A_216 = arith.addf %add3A_213, %squeeze3A_215 : f32
      %slice3A_217 = vector.extract_strided_slice %add3A_174 {offsets = [15], sizes = [1], strides = [1]} : vector<16xf32> to vector<1xf32>
      %squeeze3A_218 = vector.extract %slice3A_217[0] : f32 from vector<1xf32>
      %add3A_219 = arith.addf %add3A_216, %squeeze3A_218 : f32
      %broadcast_in_dim3A_220 = vector.broadcast %add3A_219 : f32 to vector<16xf32>
      %get3A_221 = arith.constant 0 : i32
      %get3A_222 = arith.constant 1 : i32
      %get3A_223 = arith.index_cast %get3A_221 : i32 to index
      %get3A_224 = arith.index_cast %get3A_222 : i32 to index
      %get3A_225 = arith.constant 0 : index
      %get3A_226 = tpu.vector_load %arg14[%get3A_223, %get3A_224, %get3A_225] {strides = array<i32>} : memref<16x4x16xf32, #tpu.memory_space<vmem>>, vector<1x1x16xf32>,
      %get3A_227 = vector.shape_cast %get3A_226 : vector<1x1x16xf32> to vector<16xf32>
      %get3A_228 = arith.constant 1 : i32
      %get3A_229 = arith.constant 1 : i32
      %get3A_230 = arith.index_cast %get3A_228 : i32 to index
      %get3A_231 = arith.index_cast %get3A_229 : i32 to index
      %get3A_232 = arith.constant 0 : index
      %get3A_233 = tpu.vector_load %arg14[%get3A_230, %get3A_231, %get3A_232] {strides = array<i32>} : memref<16x4x16xf32, #tpu.memory_space<vmem>>, vector<1x1x16xf32>,
      %get3A_234 = vector.shape_cast %get3A_233 : vector<1x1x16xf32> to vector<16xf32>
      %add3A_235 = arith.addf %get3A_227, %get3A_234 : vector<16xf32>
      %get3A_236 = arith.constant 2 : i32
      %get3A_237 = arith.constant 1 : i32
      %get3A_238 = arith.index_cast %get3A_236 : i32 to index
      %get3A_239 = arith.index_cast %get3A_237 : i32 to index
      %get3A_240 = arith.constant 0 : index
      %get3A_241 = tpu.vector_load %arg14[%get3A_238, %get3A_239, %get3A_240] {strides = array<i32>} : memref<16x4x16xf32, #tpu.memory_space<vmem>>, vector<1x1x16xf32>,
      %get3A_242 = vector.shape_cast %get3A_241 : vector<1x1x16xf32> to vector<16xf32>
      %add3A_243 = arith.addf %add3A_235, %get3A_242 : vector<16xf32>
      %get3A_244 = arith.constant 3 : i32
      %get3A_245 = arith.constant 1 : i32
      %get3A_246 = arith.index_cast %get3A_244 : i32 to index
      %get3A_247 = arith.index_cast %get3A_245 : i32 to index
      %get3A_248 = arith.constant 0 : index
      %get3A_249 = tpu.vector_load %arg14[%get3A_246, %get3A_247, %get3A_248] {strides = array<i32>} : memref<16x4x16xf32, #tpu.memory_space<vmem>>, vector<1x1x16xf32>,
      %get3A_250 = vector.shape_cast %get3A_249 : vector<1x1x16xf32> to vector<16xf32>
      %add3A_251 = arith.addf %add3A_243, %get3A_250 : vector<16xf32>
      %get3A_252 = arith.constant 4 : i32
      %get3A_253 = arith.constant 1 : i32
      %get3A_254 = arith.index_cast %get3A_252 : i32 to index
      %get3A_255 = arith.index_cast %get3A_253 : i32 to index
      %get3A_256 = arith.constant 0 : index
      %get3A_257 = tpu.vector_load %arg14[%get3A_254, %get3A_255, %get3A_256] {strides = array<i32>} : memref<16x4x16xf32, #tpu.memory_space<vmem>>, vector<1x1x16xf32>,
      %get3A_258 = vector.shape_cast %get3A_257 : vector<1x1x16xf32> to vector<16xf32>
      %add3A_259 = arith.addf %add3A_251, %get3A_258 : vector<16xf32>
      %get3A_260 = arith.constant 5 : i32
      %get3A_261 = arith.constant 1 : i32
      %get3A_262 = arith.index_cast %get3A_260 : i32 to index
      %get3A_263 = arith.index_cast %get3A_261 : i32 to index
      %get3A_264 = arith.constant 0 : index
      %get3A_265 = tpu.vector_load %arg14[%get3A_262, %get3A_263, %get3A_264] {strides = array<i32>} : memref<16x4x16xf32, #tpu.memory_space<vmem>>, vector<1x1x16xf32>,
      %get3A_266 = vector.shape_cast %get3A_265 : vector<1x1x16xf32> to vector<16xf32>
      %add3A_267 = arith.addf %add3A_259, %get3A_266 : vector<16xf32>
      %get3A_268 = arith.constant 6 : i32
      %get3A_269 = arith.constant 1 : i32
      %get3A_270 = arith.index_cast %get3A_268 : i32 to index
      %get3A_271 = arith.index_cast %get3A_269 : i32 to index
      %get3A_272 = arith.constant 0 : index
      %get3A_273 = tpu.vector_load %arg14[%get3A_270, %get3A_271, %get3A_272] {strides = array<i32>} : memref<16x4x16xf32, #tpu.memory_space<vmem>>, vector<1x1x16xf32>,
      %get3A_274 = vector.shape_cast %get3A_273 : vector<1x1x16xf32> to vector<16xf32>
      %add3A_275 = arith.addf %add3A_267, %get3A_274 : vector<16xf32>
      %get3A_276 = arith.constant 7 : i32
      %get3A_277 = arith.constant 1 : i32
      %get3A_278 = arith.index_cast %get3A_276 : i32 to index
      %get3A_279 = arith.index_cast %get3A_277 : i32 to index
      %get3A_280 = arith.constant 0 : index
      %get3A_281 = tpu.vector_load %arg14[%get3A_278, %get3A_279, %get3A_280] {strides = array<i32>} : memref<16x4x16xf32, #tpu.memory_space<vmem>>, vector<1x1x16xf32>,
      %get3A_282 = vector.shape_cast %get3A_281 : vector<1x1x16xf32> to vector<16xf32>
      %add3A_283 = arith.addf %add3A_275, %get3A_282 : vector<16xf32>
      %get3A_284 = arith.constant 8 : i32
      %get3A_285 = arith.constant 1 : i32
      %get3A_286 = arith.index_cast %get3A_284 : i32 to index
      %get3A_287 = arith.index_cast %get3A_285 : i32 to index
      %get3A_288 = arith.constant 0 : index
      %get3A_289 = tpu.vector_load %arg14[%get3A_286, %get3A_287, %get3A_288] {strides = array<i32>} : memref<16x4x16xf32, #tpu.memory_space<vmem>>, vector<1x1x16xf32>,
      %get3A_290 = vector.shape_cast %get3A_289 : vector<1x1x16xf32> to vector<16xf32>
      %add3A_291 = arith.addf %add3A_283, %get3A_290 : vector<16xf32>
      %get3A_292 = arith.constant 9 : i32
      %get3A_293 = arith.constant 1 : i32
      %get3A_294 = arith.index_cast %get3A_292 : i32 to index
      %get3A_295 = arith.index_cast %get3A_293 : i32 to index
      %get3A_296 = arith.constant 0 : index
      %get3A_297 = tpu.vector_load %arg14[%get3A_294, %get3A_295, %get3A_296] {strides = array<i32>} : memref<16x4x16xf32, #tpu.memory_space<vmem>>, vector<1x1x16xf32>,
      %get3A_298 = vector.shape_cast %get3A_297 : vector<1x1x16xf32> to vector<16xf32>
      %add3A_299 = arith.addf %add3A_291, %get3A_298 : vector<16xf32>
      %get3A_300 = arith.constant 10 : i32
      %get3A_301 = arith.constant 1 : i32
      %get3A_302 = arith.index_cast %get3A_300 : i32 to index
      %get3A_303 = arith.index_cast %get3A_301 : i32 to index
      %get3A_304 = arith.constant 0 : index
      %get3A_305 = tpu.vector_load %arg14[%get3A_302, %get3A_303, %get3A_304] {strides = array<i32>} : memref<16x4x16xf32, #tpu.memory_space<vmem>>, vector<1x1x16xf32>,
      %get3A_306 = vector.shape_cast %get3A_305 : vector<1x1x16xf32> to vector<16xf32>
      %add3A_307 = arith.addf %add3A_299, %get3A_306 : vector<16xf32>
      %get3A_308 = arith.constant 11 : i32
      %get3A_309 = arith.constant 1 : i32
      %get3A_310 = arith.index_cast %get3A_308 : i32 to index
      %get3A_311 = arith.index_cast %get3A_309 : i32 to index
      %get3A_312 = arith.constant 0 : index
      %get3A_313 = tpu.vector_load %arg14[%get3A_310, %get3A_311, %get3A_312] {strides = array<i32>} : memref<16x4x16xf32, #tpu.memory_space<vmem>>, vector<1x1x16xf32>,
      %get3A_314 = vector.shape_cast %get3A_313 : vector<1x1x16xf32> to vector<16xf32>
      %add3A_315 = arith.addf %add3A_307, %get3A_314 : vector<16xf32>
      %get3A_316 = arith.constant 12 : i32
      %get3A_317 = arith.constant 1 : i32
      %get3A_318 = arith.index_cast %get3A_316 : i32 to index
      %get3A_319 = arith.index_cast %get3A_317 : i32 to index
      %get3A_320 = arith.constant 0 : index
      %get3A_321 = tpu.vector_load %arg14[%get3A_318, %get3A_319, %get3A_320] {strides = array<i32>} : memref<16x4x16xf32, #tpu.memory_space<vmem>>, vector<1x1x16xf32>,
      %get3A_322 = vector.shape_cast %get3A_321 : vector<1x1x16xf32> to vector<16xf32>
      %add3A_323 = arith.addf %add3A_315, %get3A_322 : vector<16xf32>
      %get3A_324 = arith.constant 13 : i32
      %get3A_325 = arith.constant 1 : i32
      %get3A_326 = arith.index_cast %get3A_324 : i32 to index
      %get3A_327 = arith.index_cast %get3A_325 : i32 to index
      %get3A_328 = arith.constant 0 : index
      %get3A_329 = tpu.vector_load %arg14[%get3A_326, %get3A_327, %get3A_328] {strides = array<i32>} : memref<16x4x16xf32, #tpu.memory_space<vmem>>, vector<1x1x16xf32>,
      %get3A_330 = vector.shape_cast %get3A_329 : vector<1x1x16xf32> to vector<16xf32>
      %add3A_331 = arith.addf %add3A_323, %get3A_330 : vector<16xf32>
      %get3A_332 = arith.constant 14 : i32
      %get3A_333 = arith.constant 1 : i32
      %get3A_334 = arith.index_cast %get3A_332 : i32 to index
      %get3A_335 = arith.index_cast %get3A_333 : i32 to index
      %get3A_336 = arith.constant 0 : index
      %get3A_337 = tpu.vector_load %arg14[%get3A_334, %get3A_335, %get3A_336] {strides = array<i32>} : memref<16x4x16xf32, #tpu.memory_space<vmem>>, vector<1x1x16xf32>,
      %get3A_338 = vector.shape_cast %get3A_337 : vector<1x1x16xf32> to vector<16xf32>
      %add3A_339 = arith.addf %add3A_331, %get3A_338 : vector<16xf32>
      %get3A_340 = arith.constant 15 : i32
      %get3A_341 = arith.constant 1 : i32
      %get3A_342 = arith.index_cast %get3A_340 : i32 to index
      %get3A_343 = arith.index_cast %get3A_341 : i32 to index
      %get3A_344 = arith.constant 0 : index
      %get3A_345 = tpu.vector_load %arg14[%get3A_342, %get3A_343, %get3A_344] {strides = array<i32>} : memref<16x4x16xf32, #tpu.memory_space<vmem>>, vector<1x1x16xf32>,
      %get3A_346 = vector.shape_cast %get3A_345 : vector<1x1x16xf32> to vector<16xf32>
      %add3A_347 = arith.addf %add3A_339, %get3A_346 : vector<16xf32>
      %slice3A_348 = vector.extract_strided_slice %add3A_347 {offsets = [0], sizes = [1], strides = [1]} : vector<16xf32> to vector<1xf32>
      %squeeze3A_349 = vector.extract %slice3A_348[0] : f32 from vector<1xf32>
      %slice3A_350 = vector.extract_strided_slice %add3A_347 {offsets = [1], sizes = [1], strides = [1]} : vector<16xf32> to vector<1xf32>
      %squeeze3A_351 = vector.extract %slice3A_350[0] : f32 from vector<1xf32>
      %add3A_352 = arith.addf %squeeze3A_349, %squeeze3A_351 : f32
      %slice3A_353 = vector.extract_strided_slice %add3A_347 {offsets = [2], sizes = [1], strides = [1]} : vector<16xf32> to vector<1xf32>
      %squeeze3A_354 = vector.extract %slice3A_353[0] : f32 from vector<1xf32>
      %add3A_355 = arith.addf %add3A_352, %squeeze3A_354 : f32
      %slice3A_356 = vector.extract_strided_slice %add3A_347 {offsets = [3], sizes = [1], strides = [1]} : vector<16xf32> to vector<1xf32>
      %squeeze3A_357 = vector.extract %slice3A_356[0] : f32 from vector<1xf32>
      %add3A_358 = arith.addf %add3A_355, %squeeze3A_357 : f32
      %slice3A_359 = vector.extract_strided_slice %add3A_347 {offsets = [4], sizes = [1], strides = [1]} : vector<16xf32> to vector<1xf32>
      %squeeze3A_360 = vector.extract %slice3A_359[0] : f32 from vector<1xf32>
      %add3A_361 = arith.addf %add3A_358, %squeeze3A_360 : f32
      %slice3A_362 = vector.extract_strided_slice %add3A_347 {offsets = [5], sizes = [1], strides = [1]} : vector<16xf32> to vector<1xf32>
      %squeeze3A_363 = vector.extract %slice3A_362[0] : f32 from vector<1xf32>
      %add3A_364 = arith.addf %add3A_361, %squeeze3A_363 : f32
      %slice3A_365 = vector.extract_strided_slice %add3A_347 {offsets = [6], sizes = [1], strides = [1]} : vector<16xf32> to vector<1xf32>
      %squeeze3A_366 = vector.extract %slice3A_365[0] : f32 from vector<1xf32>
      %add3A_367 = arith.addf %add3A_364, %squeeze3A_366 : f32
      %slice3A_368 = vector.extract_strided_slice %add3A_347 {offsets = [7], sizes = [1], strides = [1]} : vector<16xf32> to vector<1xf32>
      %squeeze3A_369 = vector.extract %slice3A_368[0] : f32 from vector<1xf32>
      %add3A_370 = arith.addf %add3A_367, %squeeze3A_369 : f32
      %slice3A_371 = vector.extract_strided_slice %add3A_347 {offsets = [8], sizes = [1], strides = [1]} : vector<16xf32> to vector<1xf32>
      %squeeze3A_372 = vector.extract %slice3A_371[0] : f32 from vector<1xf32>
      %add3A_373 = arith.addf %add3A_370, %squeeze3A_372 : f32
      %slice3A_374 = vector.extract_strided_slice %add3A_347 {offsets = [9], sizes = [1], strides = [1]} : vector<16xf32> to vector<1xf32>
      %squeeze3A_375 = vector.extract %slice3A_374[0] : f32 from vector<1xf32>
      %add3A_376 = arith.addf %add3A_373, %squeeze3A_375 : f32
      %slice3A_377 = vector.extract_strided_slice %add3A_347 {offsets = [10], sizes = [1], strides = [1]} : vector<16xf32> to vector<1xf32>
      %squeeze3A_378 = vector.extract %slice3A_377[0] : f32 from vector<1xf32>
      %add3A_379 = arith.addf %add3A_376, %squeeze3A_378 : f32
      %slice3A_380 = vector.extract_strided_slice %add3A_347 {offsets = [11], sizes = [1], strides = [1]} : vector<16xf32> to vector<1xf32>
      %squeeze3A_381 = vector.extract %slice3A_380[0] : f32 from vector<1xf32>
      %add3A_382 = arith.addf %add3A_379, %squeeze3A_381 : f32
      %slice3A_383 = vector.extract_strided_slice %add3A_347 {offsets = [12], sizes = [1], strides = [1]} : vector<16xf32> to vector<1xf32>
      %squeeze3A_384 = vector.extract %slice3A_383[0] : f32 from vector<1xf32>
      %add3A_385 = arith.addf %add3A_382, %squeeze3A_384 : f32
      %slice3A_386 = vector.extract_strided_slice %add3A_347 {offsets = [13], sizes = [1], strides = [1]} : vector<16xf32> to vector<1xf32>
      %squeeze3A_387 = vector.extract %slice3A_386[0] : f32 from vector<1xf32>
      %add3A_388 = arith.addf %add3A_385, %squeeze3A_387 : f32
      %slice3A_389 = vector.extract_strided_slice %add3A_347 {offsets = [14], sizes = [1], strides = [1]} : vector<16xf32> to vector<1xf32>
      %squeeze3A_390 = vector.extract %slice3A_389[0] : f32 from vector<1xf32>
      %add3A_391 = arith.addf %add3A_388, %squeeze3A_390 : f32
      %slice3A_392 = vector.extract_strided_slice %add3A_347 {offsets = [15], sizes = [1], strides = [1]} : vector<16xf32> to vector<1xf32>
      %squeeze3A_393 = vector.extract %slice3A_392[0] : f32 from vector<1xf32>
      %add3A_394 = arith.addf %add3A_391, %squeeze3A_393 : f32
      %broadcast_in_dim3A_395 = vector.broadcast %add3A_394 : f32 to vector<16xf32>
      %get3A_396 = arith.constant 0 : i32
      %get3A_397 = arith.constant 2 : i32
      %get3A_398 = arith.index_cast %get3A_396 : i32 to index
      %get3A_399 = arith.index_cast %get3A_397 : i32 to index
      %get3A_400 = arith.constant 0 : index
      %get3A_401 = tpu.vector_load %arg14[%get3A_398, %get3A_399, %get3A_400] {strides = array<i32>} : memref<16x4x16xf32, #tpu.memory_space<vmem>>, vector<1x1x16xf32>,
      %get3A_402 = vector.shape_cast %get3A_401 : vector<1x1x16xf32> to vector<16xf32>
      %get3A_403 = arith.constant 1 : i32
      %get3A_404 = arith.constant 2 : i32
      %get3A_405 = arith.index_cast %get3A_403 : i32 to index
      %get3A_406 = arith.index_cast %get3A_404 : i32 to index
      %get3A_407 = arith.constant 0 : index
      %get3A_408 = tpu.vector_load %arg14[%get3A_405, %get3A_406, %get3A_407] {strides = array<i32>} : memref<16x4x16xf32, #tpu.memory_space<vmem>>, vector<1x1x16xf32>,
      %get3A_409 = vector.shape_cast %get3A_408 : vector<1x1x16xf32> to vector<16xf32>
      %add3A_410 = arith.addf %get3A_402, %get3A_409 : vector<16xf32>
      %get3A_411 = arith.constant 2 : i32
      %get3A_412 = arith.constant 2 : i32
      %get3A_413 = arith.index_cast %get3A_411 : i32 to index
      %get3A_414 = arith.index_cast %get3A_412 : i32 to index
      %get3A_415 = arith.constant 0 : index
      %get3A_416 = tpu.vector_load %arg14[%get3A_413, %get3A_414, %get3A_415] {strides = array<i32>} : memref<16x4x16xf32, #tpu.memory_space<vmem>>, vector<1x1x16xf32>,
      %get3A_417 = vector.shape_cast %get3A_416 : vector<1x1x16xf32> to vector<16xf32>
      %add3A_418 = arith.addf %add3A_410, %get3A_417 : vector<16xf32>
      %get3A_419 = arith.constant 3 : i32
      %get3A_420 = arith.constant 2 : i32
      %get3A_421 = arith.index_cast %get3A_419 : i32 to index
      %get3A_422 = arith.index_cast %get3A_420 : i32 to index
      %get3A_423 = arith.constant 0 : index
      %get3A_424 = tpu.vector_load %arg14[%get3A_421, %get3A_422, %get3A_423] {strides = array<i32>} : memref<16x4x16xf32, #tpu.memory_space<vmem>>, vector<1x1x16xf32>,
      %get3A_425 = vector.shape_cast %get3A_424 : vector<1x1x16xf32> to vector<16xf32>
      %add3A_426 = arith.addf %add3A_418, %get3A_425 : vector<16xf32>
      %get3A_427 = arith.constant 4 : i32
      %get3A_428 = arith.constant 2 : i32
      %get3A_429 = arith.index_cast %get3A_427 : i32 to index
      %get3A_430 = arith.index_cast %get3A_428 : i32 to index
      %get3A_431 = arith.constant 0 : index
      %get3A_432 = tpu.vector_load %arg14[%get3A_429, %get3A_430, %get3A_431] {strides = array<i32>} : memref<16x4x16xf32, #tpu.memory_space<vmem>>, vector<1x1x16xf32>,
      %get3A_433 = vector.shape_cast %get3A_432 : vector<1x1x16xf32> to vector<16xf32>
      %add3A_434 = arith.addf %add3A_426, %get3A_433 : vector<16xf32>
      %get3A_435 = arith.constant 5 : i32
      %get3A_436 = arith.constant 2 : i32
      %get3A_437 = arith.index_cast %get3A_435 : i32 to index
      %get3A_438 = arith.index_cast %get3A_436 : i32 to index
      %get3A_439 = arith.constant 0 : index
      %get3A_440 = tpu.vector_load %arg14[%get3A_437, %get3A_438, %get3A_439] {strides = array<i32>} : memref<16x4x16xf32, #tpu.memory_space<vmem>>, vector<1x1x16xf32>,
      %get3A_441 = vector.shape_cast %get3A_440 : vector<1x1x16xf32> to vector<16xf32>
      %add3A_442 = arith.addf %add3A_434, %get3A_441 : vector<16xf32>
      %get3A_443 = arith.constant 6 : i32
      %get3A_444 = arith.constant 2 : i32
      %get3A_445 = arith.index_cast %get3A_443 : i32 to index
      %get3A_446 = arith.index_cast %get3A_444 : i32 to index
      %get3A_447 = arith.constant 0 : index
      %get3A_448 = tpu.vector_load %arg14[%get3A_445, %get3A_446, %get3A_447] {strides = array<i32>} : memref<16x4x16xf32, #tpu.memory_space<vmem>>, vector<1x1x16xf32>,
      %get3A_449 = vector.shape_cast %get3A_448 : vector<1x1x16xf32> to vector<16xf32>
      %add3A_450 = arith.addf %add3A_442, %get3A_449 : vector<16xf32>
      %get3A_451 = arith.constant 7 : i32
      %get3A_452 = arith.constant 2 : i32
      %get3A_453 = arith.index_cast %get3A_451 : i32 to index
      %get3A_454 = arith.index_cast %get3A_452 : i32 to index
      %get3A_455 = arith.constant 0 : index
      %get3A_456 = tpu.vector_load %arg14[%get3A_453, %get3A_454, %get3A_455] {strides = array<i32>} : memref<16x4x16xf32, #tpu.memory_space<vmem>>, vector<1x1x16xf32>,
      %get3A_457 = vector.shape_cast %get3A_456 : vector<1x1x16xf32> to vector<16xf32>
      %add3A_458 = arith.addf %add3A_450, %get3A_457 : vector<16xf32>
      %get3A_459 = arith.constant 8 : i32
      %get3A_460 = arith.constant 2 : i32
      %get3A_461 = arith.index_cast %get3A_459 : i32 to index
      %get3A_462 = arith.index_cast %get3A_460 : i32 to index
      %get3A_463 = arith.constant 0 : index
      %get3A_464 = tpu.vector_load %arg14[%get3A_461, %get3A_462, %get3A_463] {strides = array<i32>} : memref<16x4x16xf32, #tpu.memory_space<vmem>>, vector<1x1x16xf32>,
      %get3A_465 = vector.shape_cast %get3A_464 : vector<1x1x16xf32> to vector<16xf32>
      %add3A_466 = arith.addf %add3A_458, %get3A_465 : vector<16xf32>
      %get3A_467 = arith.constant 9 : i32
      %get3A_468 = arith.constant 2 : i32
      %get3A_469 = arith.index_cast %get3A_467 : i32 to index
      %get3A_470 = arith.index_cast %get3A_468 : i32 to index
      %get3A_471 = arith.constant 0 : index
      %get3A_472 = tpu.vector_load %arg14[%get3A_469, %get3A_470, %get3A_471] {strides = array<i32>} : memref<16x4x16xf32, #tpu.memory_space<vmem>>, vector<1x1x16xf32>,
      %get3A_473 = vector.shape_cast %get3A_472 : vector<1x1x16xf32> to vector<16xf32>
      %add3A_474 = arith.addf %add3A_466, %get3A_473 : vector<16xf32>
      %get3A_475 = arith.constant 10 : i32
      %get3A_476 = arith.constant 2 : i32
      %get3A_477 = arith.index_cast %get3A_475 : i32 to index
      %get3A_478 = arith.index_cast %get3A_476 : i32 to index
      %get3A_479 = arith.constant 0 : index
      %get3A_480 = tpu.vector_load %arg14[%get3A_477, %get3A_478, %get3A_479] {strides = array<i32>} : memref<16x4x16xf32, #tpu.memory_space<vmem>>, vector<1x1x16xf32>,
      %get3A_481 = vector.shape_cast %get3A_480 : vector<1x1x16xf32> to vector<16xf32>
      %add3A_482 = arith.addf %add3A_474, %get3A_481 : vector<16xf32>
      %get3A_483 = arith.constant 11 : i32
      %get3A_484 = arith.constant 2 : i32
      %get3A_485 = arith.index_cast %get3A_483 : i32 to index
      %get3A_486 = arith.index_cast %get3A_484 : i32 to index
      %get3A_487 = arith.constant 0 : index
      %get3A_488 = tpu.vector_load %arg14[%get3A_485, %get3A_486, %get3A_487] {strides = array<i32>} : memref<16x4x16xf32, #tpu.memory_space<vmem>>, vector<1x1x16xf32>,
      %get3A_489 = vector.shape_cast %get3A_488 : vector<1x1x16xf32> to vector<16xf32>
      %add3A_490 = arith.addf %add3A_482, %get3A_489 : vector<16xf32>
      %get3A_491 = arith.constant 12 : i32
      %get3A_492 = arith.constant 2 : i32
      %get3A_493 = arith.index_cast %get3A_491 : i32 to index
      %get3A_494 = arith.index_cast %get3A_492 : i32 to index
      %get3A_495 = arith.constant 0 : index
      %get3A_496 = tpu.vector_load %arg14[%get3A_493, %get3A_494, %get3A_495] {strides = array<i32>} : memref<16x4x16xf32, #tpu.memory_space<vmem>>, vector<1x1x16xf32>,
      %get3A_497 = vector.shape_cast %get3A_496 : vector<1x1x16xf32> to vector<16xf32>
      %add3A_498 = arith.addf %add3A_490, %get3A_497 : vector<16xf32>
      %get3A_499 = arith.constant 13 : i32
      %get3A_500 = arith.constant 2 : i32
      %get3A_501 = arith.index_cast %get3A_499 : i32 to index
      %get3A_502 = arith.index_cast %get3A_500 : i32 to index
      %get3A_503 = arith.constant 0 : index
      %get3A_504 = tpu.vector_load %arg14[%get3A_501, %get3A_502, %get3A_503] {strides = array<i32>} : memref<16x4x16xf32, #tpu.memory_space<vmem>>, vector<1x1x16xf32>,
      %get3A_505 = vector.shape_cast %get3A_504 : vector<1x1x16xf32> to vector<16xf32>
      %add3A_506 = arith.addf %add3A_498, %get3A_505 : vector<16xf32>
      %get3A_507 = arith.constant 14 : i32
      %get3A_508 = arith.constant 2 : i32
      %get3A_509 = arith.index_cast %get3A_507 : i32 to index
      %get3A_510 = arith.index_cast %get3A_508 : i32 to index
      %get3A_511 = arith.constant 0 : index
      %get3A_512 = tpu.vector_load %arg14[%get3A_509, %get3A_510, %get3A_511] {strides = array<i32>} : memref<16x4x16xf32, #tpu.memory_space<vmem>>, vector<1x1x16xf32>,
      %get3A_513 = vector.shape_cast %get3A_512 : vector<1x1x16xf32> to vector<16xf32>
      %add3A_514 = arith.addf %add3A_506, %get3A_513 : vector<16xf32>
      %get3A_515 = arith.constant 15 : i32
      %get3A_516 = arith.constant 2 : i32
      %get3A_517 = arith.index_cast %get3A_515 : i32 to index
      %get3A_518 = arith.index_cast %get3A_516 : i32 to index
      %get3A_519 = arith.constant 0 : index
      %get3A_520 = tpu.vector_load %arg14[%get3A_517, %get3A_518, %get3A_519] {strides = array<i32>} : memref<16x4x16xf32, #tpu.memory_space<vmem>>, vector<1x1x16xf32>,
      %get3A_521 = vector.shape_cast %get3A_520 : vector<1x1x16xf32> to vector<16xf32>
      %add3A_522 = arith.addf %add3A_514, %get3A_521 : vector<16xf32>
      %slice3A_523 = vector.extract_strided_slice %add3A_522 {offsets = [0], sizes = [1], strides = [1]} : vector<16xf32> to vector<1xf32>
      %squeeze3A_524 = vector.extract %slice3A_523[0] : f32 from vector<1xf32>
      %slice3A_525 = vector.extract_strided_slice %add3A_522 {offsets = [1], sizes = [1], strides = [1]} : vector<16xf32> to vector<1xf32>
      %squeeze3A_526 = vector.extract %slice3A_525[0] : f32 from vector<1xf32>
      %add3A_527 = arith.addf %squeeze3A_524, %squeeze3A_526 : f32
      %slice3A_528 = vector.extract_strided_slice %add3A_522 {offsets = [2], sizes = [1], strides = [1]} : vector<16xf32> to vector<1xf32>
      %squeeze3A_529 = vector.extract %slice3A_528[0] : f32 from vector<1xf32>
      %add3A_530 = arith.addf %add3A_527, %squeeze3A_529 : f32
      %slice3A_531 = vector.extract_strided_slice %add3A_522 {offsets = [3], sizes = [1], strides = [1]} : vector<16xf32> to vector<1xf32>
      %squeeze3A_532 = vector.extract %slice3A_531[0] : f32 from vector<1xf32>
      %add3A_533 = arith.addf %add3A_530, %squeeze3A_532 : f32
      %slice3A_534 = vector.extract_strided_slice %add3A_522 {offsets = [4], sizes = [1], strides = [1]} : vector<16xf32> to vector<1xf32>
      %squeeze3A_535 = vector.extract %slice3A_534[0] : f32 from vector<1xf32>
      %add3A_536 = arith.addf %add3A_533, %squeeze3A_535 : f32
      %slice3A_537 = vector.extract_strided_slice %add3A_522 {offsets = [5], sizes = [1], strides = [1]} : vector<16xf32> to vector<1xf32>
      %squeeze3A_538 = vector.extract %slice3A_537[0] : f32 from vector<1xf32>
      %add3A_539 = arith.addf %add3A_536, %squeeze3A_538 : f32
      %slice3A_540 = vector.extract_strided_slice %add3A_522 {offsets = [6], sizes = [1], strides = [1]} : vector<16xf32> to vector<1xf32>
      %squeeze3A_541 = vector.extract %slice3A_540[0] : f32 from vector<1xf32>
      %add3A_542 = arith.addf %add3A_539, %squeeze3A_541 : f32
      %slice3A_543 = vector.extract_strided_slice %add3A_522 {offsets = [7], sizes = [1], strides = [1]} : vector<16xf32> to vector<1xf32>
      %squeeze3A_544 = vector.extract %slice3A_543[0] : f32 from vector<1xf32>
      %add3A_545 = arith.addf %add3A_542, %squeeze3A_544 : f32
      %slice3A_546 = vector.extract_strided_slice %add3A_522 {offsets = [8], sizes = [1], strides = [1]} : vector<16xf32> to vector<1xf32>
      %squeeze3A_547 = vector.extract %slice3A_546[0] : f32 from vector<1xf32>
      %add3A_548 = arith.addf %add3A_545, %squeeze3A_547 : f32
      %slice3A_549 = vector.extract_strided_slice %add3A_522 {offsets = [9], sizes = [1], strides = [1]} : vector<16xf32> to vector<1xf32>
      %squeeze3A_550 = vector.extract %slice3A_549[0] : f32 from vector<1xf32>
      %add3A_551 = arith.addf %add3A_548, %squeeze3A_550 : f32
      %slice3A_552 = vector.extract_strided_slice %add3A_522 {offsets = [10], sizes = [1], strides = [1]} : vector<16xf32> to vector<1xf32>
      %squeeze3A_553 = vector.extract %slice3A_552[0] : f32 from vector<1xf32>
      %add3A_554 = arith.addf %add3A_551, %squeeze3A_553 : f32
      %slice3A_555 = vector.extract_strided_slice %add3A_522 {offsets = [11], sizes = [1], strides = [1]} : vector<16xf32> to vector<1xf32>
      %squeeze3A_556 = vector.extract %slice3A_555[0] : f32 from vector<1xf32>
      %add3A_557 = arith.addf %add3A_554, %squeeze3A_556 : f32
      %slice3A_558 = vector.extract_strided_slice %add3A_522 {offsets = [12], sizes = [1], strides = [1]} : vector<16xf32> to vector<1xf32>
      %squeeze3A_559 = vector.extract %slice3A_558[0] : f32 from vector<1xf32>
      %add3A_560 = arith.addf %add3A_557, %squeeze3A_559 : f32
      %slice3A_561 = vector.extract_strided_slice %add3A_522 {offsets = [13], sizes = [1], strides = [1]} : vector<16xf32> to vector<1xf32>
      %squeeze3A_562 = vector.extract %slice3A_561[0] : f32 from vector<1xf32>
      %add3A_563 = arith.addf %add3A_560, %squeeze3A_562 : f32
      %slice3A_564 = vector.extract_strided_slice %add3A_522 {offsets = [14], sizes = [1], strides = [1]} : vector<16xf32> to vector<1xf32>
      %squeeze3A_565 = vector.extract %slice3A_564[0] : f32 from vector<1xf32>
      %add3A_566 = arith.addf %add3A_563, %squeeze3A_565 : f32
      %slice3A_567 = vector.extract_strided_slice %add3A_522 {offsets = [15], sizes = [1], strides = [1]} : vector<16xf32> to vector<1xf32>
      %squeeze3A_568 = vector.extract %slice3A_567[0] : f32 from vector<1xf32>
      %add3A_569 = arith.addf %add3A_566, %squeeze3A_568 : f32
      %broadcast_in_dim3A_570 = vector.broadcast %add3A_569 : f32 to vector<16xf32>
      %get3A_571 = arith.constant 0 : i32
      %get3A_572 = arith.constant 3 : i32
      %get3A_573 = arith.index_cast %get3A_571 : i32 to index
      %get3A_574 = arith.index_cast %get3A_572 : i32 to index
      %get3A_575 = arith.constant 0 : index
      %get3A_576 = tpu.vector_load %arg14[%get3A_573, %get3A_574, %get3A_575] {strides = array<i32>} : memref<16x4x16xf32, #tpu.memory_space<vmem>>, vector<1x1x16xf32>,
      %get3A_577 = vector.shape_cast %get3A_576 : vector<1x1x16xf32> to vector<16xf32>
      %get3A_578 = arith.constant 1 : i32
      %get3A_579 = arith.constant 3 : i32
      %get3A_580 = arith.index_cast %get3A_578 : i32 to index
      %get3A_581 = arith.index_cast %get3A_579 : i32 to index
      %get3A_582 = arith.constant 0 : index
      %get3A_583 = tpu.vector_load %arg14[%get3A_580, %get3A_581, %get3A_582] {strides = array<i32>} : memref<16x4x16xf32, #tpu.memory_space<vmem>>, vector<1x1x16xf32>,
      %get3A_584 = vector.shape_cast %get3A_583 : vector<1x1x16xf32> to vector<16xf32>
      %add3A_585 = arith.addf %get3A_577, %get3A_584 : vector<16xf32>
      %get3A_586 = arith.constant 2 : i32
      %get3A_587 = arith.constant 3 : i32
      %get3A_588 = arith.index_cast %get3A_586 : i32 to index
      %get3A_589 = arith.index_cast %get3A_587 : i32 to index
      %get3A_590 = arith.constant 0 : index
      %get3A_591 = tpu.vector_load %arg14[%get3A_588, %get3A_589, %get3A_590] {strides = array<i32>} : memref<16x4x16xf32, #tpu.memory_space<vmem>>, vector<1x1x16xf32>,
      %get3A_592 = vector.shape_cast %get3A_591 : vector<1x1x16xf32> to vector<16xf32>
      %add3A_593 = arith.addf %add3A_585, %get3A_592 : vector<16xf32>
      %get3A_594 = arith.constant 3 : i32
      %get3A_595 = arith.constant 3 : i32
      %get3A_596 = arith.index_cast %get3A_594 : i32 to index
      %get3A_597 = arith.index_cast %get3A_595 : i32 to index
      %get3A_598 = arith.constant 0 : index
      %get3A_599 = tpu.vector_load %arg14[%get3A_596, %get3A_597, %get3A_598] {strides = array<i32>} : memref<16x4x16xf32, #tpu.memory_space<vmem>>, vector<1x1x16xf32>,
      %get3A_600 = vector.shape_cast %get3A_599 : vector<1x1x16xf32> to vector<16xf32>
      %add3A_601 = arith.addf %add3A_593, %get3A_600 : vector<16xf32>
      %get3A_602 = arith.constant 4 : i32
      %get3A_603 = arith.constant 3 : i32
      %get3A_604 = arith.index_cast %get3A_602 : i32 to index
      %get3A_605 = arith.index_cast %get3A_603 : i32 to index
      %get3A_606 = arith.constant 0 : index
      %get3A_607 = tpu.vector_load %arg14[%get3A_604, %get3A_605, %get3A_606] {strides = array<i32>} : memref<16x4x16xf32, #tpu.memory_space<vmem>>, vector<1x1x16xf32>,
      %get3A_608 = vector.shape_cast %get3A_607 : vector<1x1x16xf32> to vector<16xf32>
      %add3A_609 = arith.addf %add3A_601, %get3A_608 : vector<16xf32>
      %get3A_610 = arith.constant 5 : i32
      %get3A_611 = arith.constant 3 : i32
      %get3A_612 = arith.index_cast %get3A_610 : i32 to index
      %get3A_613 = arith.index_cast %get3A_611 : i32 to index
      %get3A_614 = arith.constant 0 : index
      %get3A_615 = tpu.vector_load %arg14[%get3A_612, %get3A_613, %get3A_614] {strides = array<i32>} : memref<16x4x16xf32, #tpu.memory_space<vmem>>, vector<1x1x16xf32>,
      %get3A_616 = vector.shape_cast %get3A_615 : vector<1x1x16xf32> to vector<16xf32>
      %add3A_617 = arith.addf %add3A_609, %get3A_616 : vector<16xf32>
      %get3A_618 = arith.constant 6 : i32
      %get3A_619 = arith.constant 3 : i32
      %get3A_620 = arith.index_cast %get3A_618 : i32 to index
      %get3A_621 = arith.index_cast %get3A_619 : i32 to index
      %get3A_622 = arith.constant 0 : index
      %get3A_623 = tpu.vector_load %arg14[%get3A_620, %get3A_621, %get3A_622] {strides = array<i32>} : memref<16x4x16xf32, #tpu.memory_space<vmem>>, vector<1x1x16xf32>,
      %get3A_624 = vector.shape_cast %get3A_623 : vector<1x1x16xf32> to vector<16xf32>
      %add3A_625 = arith.addf %add3A_617, %get3A_624 : vector<16xf32>
      %get3A_626 = arith.constant 7 : i32
      %get3A_627 = arith.constant 3 : i32
      %get3A_628 = arith.index_cast %get3A_626 : i32 to index
      %get3A_629 = arith.index_cast %get3A_627 : i32 to index
      %get3A_630 = arith.constant 0 : index
      %get3A_631 = tpu.vector_load %arg14[%get3A_628, %get3A_629, %get3A_630] {strides = array<i32>} : memref<16x4x16xf32, #tpu.memory_space<vmem>>, vector<1x1x16xf32>,
      %get3A_632 = vector.shape_cast %get3A_631 : vector<1x1x16xf32> to vector<16xf32>
      %add3A_633 = arith.addf %add3A_625, %get3A_632 : vector<16xf32>
      %get3A_634 = arith.constant 8 : i32
      %get3A_635 = arith.constant 3 : i32
      %get3A_636 = arith.index_cast %get3A_634 : i32 to index
      %get3A_637 = arith.index_cast %get3A_635 : i32 to index
      %get3A_638 = arith.constant 0 : index
      %get3A_639 = tpu.vector_load %arg14[%get3A_636, %get3A_637, %get3A_638] {strides = array<i32>} : memref<16x4x16xf32, #tpu.memory_space<vmem>>, vector<1x1x16xf32>,
      %get3A_640 = vector.shape_cast %get3A_639 : vector<1x1x16xf32> to vector<16xf32>
      %add3A_641 = arith.addf %add3A_633, %get3A_640 : vector<16xf32>
      %get3A_642 = arith.constant 9 : i32
      %get3A_643 = arith.constant 3 : i32
      %get3A_644 = arith.index_cast %get3A_642 : i32 to index
      %get3A_645 = arith.index_cast %get3A_643 : i32 to index
      %get3A_646 = arith.constant 0 : index
      %get3A_647 = tpu.vector_load %arg14[%get3A_644, %get3A_645, %get3A_646] {strides = array<i32>} : memref<16x4x16xf32, #tpu.memory_space<vmem>>, vector<1x1x16xf32>,
      %get3A_648 = vector.shape_cast %get3A_647 : vector<1x1x16xf32> to vector<16xf32>
      %add3A_649 = arith.addf %add3A_641, %get3A_648 : vector<16xf32>
      %get3A_650 = arith.constant 10 : i32
      %get3A_651 = arith.constant 3 : i32
      %get3A_652 = arith.index_cast %get3A_650 : i32 to index
      %get3A_653 = arith.index_cast %get3A_651 : i32 to index
      %get3A_654 = arith.constant 0 : index
      %get3A_655 = tpu.vector_load %arg14[%get3A_652, %get3A_653, %get3A_654] {strides = array<i32>} : memref<16x4x16xf32, #tpu.memory_space<vmem>>, vector<1x1x16xf32>,
      %get3A_656 = vector.shape_cast %get3A_655 : vector<1x1x16xf32> to vector<16xf32>
      %add3A_657 = arith.addf %add3A_649, %get3A_656 : vector<16xf32>
      %get3A_658 = arith.constant 11 : i32
      %get3A_659 = arith.constant 3 : i32
      %get3A_660 = arith.index_cast %get3A_658 : i32 to index
      %get3A_661 = arith.index_cast %get3A_659 : i32 to index
      %get3A_662 = arith.constant 0 : index
      %get3A_663 = tpu.vector_load %arg14[%get3A_660, %get3A_661, %get3A_662] {strides = array<i32>} : memref<16x4x16xf32, #tpu.memory_space<vmem>>, vector<1x1x16xf32>,
      %get3A_664 = vector.shape_cast %get3A_663 : vector<1x1x16xf32> to vector<16xf32>
      %add3A_665 = arith.addf %add3A_657, %get3A_664 : vector<16xf32>
      %get3A_666 = arith.constant 12 : i32
      %get3A_667 = arith.constant 3 : i32
      %get3A_668 = arith.index_cast %get3A_666 : i32 to index
      %get3A_669 = arith.index_cast %get3A_667 : i32 to index
      %get3A_670 = arith.constant 0 : index
      %get3A_671 = tpu.vector_load %arg14[%get3A_668, %get3A_669, %get3A_670] {strides = array<i32>} : memref<16x4x16xf32, #tpu.memory_space<vmem>>, vector<1x1x16xf32>,
      %get3A_672 = vector.shape_cast %get3A_671 : vector<1x1x16xf32> to vector<16xf32>
      %add3A_673 = arith.addf %add3A_665, %get3A_672 : vector<16xf32>
      %get3A_674 = arith.constant 13 : i32
      %get3A_675 = arith.constant 3 : i32
      %get3A_676 = arith.index_cast %get3A_674 : i32 to index
      %get3A_677 = arith.index_cast %get3A_675 : i32 to index
      %get3A_678 = arith.constant 0 : index
      %get3A_679 = tpu.vector_load %arg14[%get3A_676, %get3A_677, %get3A_678] {strides = array<i32>} : memref<16x4x16xf32, #tpu.memory_space<vmem>>, vector<1x1x16xf32>,
      %get3A_680 = vector.shape_cast %get3A_679 : vector<1x1x16xf32> to vector<16xf32>
      %add3A_681 = arith.addf %add3A_673, %get3A_680 : vector<16xf32>
      %get3A_682 = arith.constant 14 : i32
      %get3A_683 = arith.constant 3 : i32
      %get3A_684 = arith.index_cast %get3A_682 : i32 to index
      %get3A_685 = arith.index_cast %get3A_683 : i32 to index
      %get3A_686 = arith.constant 0 : index
      %get3A_687 = tpu.vector_load %arg14[%get3A_684, %get3A_685, %get3A_686] {strides = array<i32>} : memref<16x4x16xf32, #tpu.memory_space<vmem>>, vector<1x1x16xf32>,
      %get3A_688 = vector.shape_cast %get3A_687 : vector<1x1x16xf32> to vector<16xf32>
      %add3A_689 = arith.addf %add3A_681, %get3A_688 : vector<16xf32>
      %get3A_690 = arith.constant 15 : i32
      %get3A_691 = arith.constant 3 : i32
      %get3A_692 = arith.index_cast %get3A_690 : i32 to index
      %get3A_693 = arith.index_cast %get3A_691 : i32 to index
      %get3A_694 = arith.constant 0 : index
      %get3A_695 = tpu.vector_load %arg14[%get3A_692, %get3A_693, %get3A_694] {strides = array<i32>} : memref<16x4x16xf32, #tpu.memory_space<vmem>>, vector<1x1x16xf32>,
      %get3A_696 = vector.shape_cast %get3A_695 : vector<1x1x16xf32> to vector<16xf32>
      %add3A_697 = arith.addf %add3A_689, %get3A_696 : vector<16xf32>
      %slice3A_698 = vector.extract_strided_slice %add3A_697 {offsets = [0], sizes = [1], strides = [1]} : vector<16xf32> to vector<1xf32>
      %squeeze3A_699 = vector.extract %slice3A_698[0] : f32 from vector<1xf32>
      %slice3A_700 = vector.extract_strided_slice %add3A_697 {offsets = [1], sizes = [1], strides = [1]} : vector<16xf32> to vector<1xf32>
      %squeeze3A_701 = vector.extract %slice3A_700[0] : f32 from vector<1xf32>
      %add3A_702 = arith.addf %squeeze3A_699, %squeeze3A_701 : f32
      %slice3A_703 = vector.extract_strided_slice %add3A_697 {offsets = [2], sizes = [1], strides = [1]} : vector<16xf32> to vector<1xf32>
      %squeeze3A_704 = vector.extract %slice3A_703[0] : f32 from vector<1xf32>
      %add3A_705 = arith.addf %add3A_702, %squeeze3A_704 : f32
      %slice3A_706 = vector.extract_strided_slice %add3A_697 {offsets = [3], sizes = [1], strides = [1]} : vector<16xf32> to vector<1xf32>
      %squeeze3A_707 = vector.extract %slice3A_706[0] : f32 from vector<1xf32>
      %add3A_708 = arith.addf %add3A_705, %squeeze3A_707 : f32
      %slice3A_709 = vector.extract_strided_slice %add3A_697 {offsets = [4], sizes = [1], strides = [1]} : vector<16xf32> to vector<1xf32>
      %squeeze3A_710 = vector.extract %slice3A_709[0] : f32 from vector<1xf32>
      %add3A_711 = arith.addf %add3A_708, %squeeze3A_710 : f32
      %slice3A_712 = vector.extract_strided_slice %add3A_697 {offsets = [5], sizes = [1], strides = [1]} : vector<16xf32> to vector<1xf32>
      %squeeze3A_713 = vector.extract %slice3A_712[0] : f32 from vector<1xf32>
      %add3A_714 = arith.addf %add3A_711, %squeeze3A_713 : f32
      %slice3A_715 = vector.extract_strided_slice %add3A_697 {offsets = [6], sizes = [1], strides = [1]} : vector<16xf32> to vector<1xf32>
      %squeeze3A_716 = vector.extract %slice3A_715[0] : f32 from vector<1xf32>
      %add3A_717 = arith.addf %add3A_714, %squeeze3A_716 : f32
      %slice3A_718 = vector.extract_strided_slice %add3A_697 {offsets = [7], sizes = [1], strides = [1]} : vector<16xf32> to vector<1xf32>
      %squeeze3A_719 = vector.extract %slice3A_718[0] : f32 from vector<1xf32>
      %add3A_720 = arith.addf %add3A_717, %squeeze3A_719 : f32
      %slice3A_721 = vector.extract_strided_slice %add3A_697 {offsets = [8], sizes = [1], strides = [1]} : vector<16xf32> to vector<1xf32>
      %squeeze3A_722 = vector.extract %slice3A_721[0] : f32 from vector<1xf32>
      %add3A_723 = arith.addf %add3A_720, %squeeze3A_722 : f32
      %slice3A_724 = vector.extract_strided_slice %add3A_697 {offsets = [9], sizes = [1], strides = [1]} : vector<16xf32> to vector<1xf32>
      %squeeze3A_725 = vector.extract %slice3A_724[0] : f32 from vector<1xf32>
      %add3A_726 = arith.addf %add3A_723, %squeeze3A_725 : f32
      %slice3A_727 = vector.extract_strided_slice %add3A_697 {offsets = [10], sizes = [1], strides = [1]} : vector<16xf32> to vector<1xf32>
      %squeeze3A_728 = vector.extract %slice3A_727[0] : f32 from vector<1xf32>
      %add3A_729 = arith.addf %add3A_726, %squeeze3A_728 : f32
      %slice3A_730 = vector.extract_strided_slice %add3A_697 {offsets = [11], sizes = [1], strides = [1]} : vector<16xf32> to vector<1xf32>
      %squeeze3A_731 = vector.extract %slice3A_730[0] : f32 from vector<1xf32>
      %add3A_732 = arith.addf %add3A_729, %squeeze3A_731 : f32
      %slice3A_733 = vector.extract_strided_slice %add3A_697 {offsets = [12], sizes = [1], strides = [1]} : vector<16xf32> to vector<1xf32>
      %squeeze3A_734 = vector.extract %slice3A_733[0] : f32 from vector<1xf32>
      %add3A_735 = arith.addf %add3A_732, %squeeze3A_734 : f32
      %slice3A_736 = vector.extract_strided_slice %add3A_697 {offsets = [13], sizes = [1], strides = [1]} : vector<16xf32> to vector<1xf32>
      %squeeze3A_737 = vector.extract %slice3A_736[0] : f32 from vector<1xf32>
      %add3A_738 = arith.addf %add3A_735, %squeeze3A_737 : f32
      %slice3A_739 = vector.extract_strided_slice %add3A_697 {offsets = [14], sizes = [1], strides = [1]} : vector<16xf32> to vector<1xf32>
      %squeeze3A_740 = vector.extract %slice3A_739[0] : f32 from vector<1xf32>
      %add3A_741 = arith.addf %add3A_738, %squeeze3A_740 : f32
      %slice3A_742 = vector.extract_strided_slice %add3A_697 {offsets = [15], sizes = [1], strides = [1]} : vector<16xf32> to vector<1xf32>
      %squeeze3A_743 = vector.extract %slice3A_742[0] : f32 from vector<1xf32>
      %add3A_744 = arith.addf %add3A_741, %squeeze3A_743 : f32
      %broadcast_in_dim3A_745 = vector.broadcast %add3A_744 : f32 to vector<16xf32>
      %gt3A = arith.constant 0.000000e+00 : f32
      %gt3A_746 = vector.broadcast %gt3A : f32 to vector<16xf32>
      %gt3A_747 = arith.cmpf ogt, %broadcast_in_dim3A_395, %gt3A_746 : vector<16xf32>
      %max3A = arith.constant 1.000000e+00 : f32
      %max3A_748 = vector.broadcast %max3A : f32 to vector<16xf32>
      %max3A_749 = arith.maximumf %broadcast_in_dim3A_395, %max3A_748 : vector<16xf32>
      %div3A = arith.divf %broadcast_in_dim3A_220, %max3A_749 : vector<16xf32>
      %jit3A = arith.constant 0.000000e+00 : f32
      %broadcast_in_dim3A_750 = vector.broadcast %jit3A : f32 to vector<16xf32>
      %select_n3A = arith.select %gt3A_747, %div3A, %broadcast_in_dim3A_750 : vector<16xi1>, vector<16xf32>
      %gt3A_751 = arith.constant 0.000000e+00 : f32
      %gt3A_752 = vector.broadcast %gt3A_751 : f32 to vector<16xf32>
      %gt3A_753 = arith.cmpf ogt, %broadcast_in_dim3A_745, %gt3A_752 : vector<16xf32>
      %max3A_754 = arith.constant 1.000000e+00 : f32
      %max3A_755 = vector.broadcast %max3A_754 : f32 to vector<16xf32>
      %max3A_756 = arith.maximumf %broadcast_in_dim3A_745, %max3A_755 : vector<16xf32>
      %div3A_757 = arith.divf %broadcast_in_dim3A_570, %max3A_756 : vector<16xf32>
      %jit3A_758 = arith.constant 0.000000e+00 : f32
      %broadcast_in_dim3A_759 = vector.broadcast %jit3A_758 : f32 to vector<16xf32>
      %select_n3A_760 = arith.select %gt3A_753, %div3A_757, %broadcast_in_dim3A_759 : vector<16xi1>, vector<16xf32>
      %mul3A_761 = arith.constant 0.699999988 : f32
      %mul3A_762 = vector.broadcast %mul3A_761 : f32 to vector<16xf32>
      %mul3A_763 = arith.mulf %select_n3A, %mul3A_762 : vector<16xf32>
      %mul3A_764 = arith.constant 3.000000e-01 : f32
      %mul3A_765 = vector.broadcast %mul3A_764 : f32 to vector<16xf32>
      %mul3A_766 = arith.mulf %select_n3A_760, %mul3A_765 : vector<16xf32>
      %add3A_767 = arith.addf %mul3A_763, %mul3A_766 : vector<16xf32>
      %swap3A_768 = arith.constant 0 : index
      %swap3A_769 = tpu.vector_load %arg15[%swap3A_768] {strides = array<i32>} : memref<16xf32, #tpu.memory_space<vmem>>, vector<16xf32>,
      %swap3A_770 = vector.shape_cast %swap3A_769 : vector<16xf32> to vector<16xf32>
      %swap3A_771 = vector.shape_cast %add3A_767 : vector<16xf32> to vector<16xf32>
      tpu.vector_store %arg15[%swap3A_768], %swap3A_771 {strides = array<i32>} : memref<16xf32, #tpu.memory_space<vmem>>, vector<16xf32>,
      "tpu.region"() ({
        %run_scoped3A = tpu.sem_alloc : memref<!tpu.dma_semaphore, #tpu.memory_space<semaphore_mem>>
        tpu.enqueue_dma source(%arg15 : memref<16xf32, #tpu.memory_space<vmem>>) target(%arg7 : memref<16xf32, #tpu.memory_space<hbm>>) target_semaphore(%run_scoped3A : memref<!tpu.dma_semaphore, #tpu.memory_space<semaphore_mem>>)
        tpu.wait_dma2 semaphore(%run_scoped3A : memref<!tpu.dma_semaphore, #tpu.memory_space<semaphore_mem>>) src(%arg15 : memref<16xf32, #tpu.memory_space<vmem>>) dst(%arg7 : memref<16xf32, #tpu.memory_space<hbm>>)
        tpu.yield
      }) : () -> ()
    } else {
    }
    return
  }
}

module attributes {stable_mosaic.version = 14 : i64} {
  func.func @_tc_body(%arg0: i32, %arg1: memref<4096x128xf32, #tpu.memory_space<vmem>>, %arg2: memref<4096x128xf32, #tpu.memory_space<vmem>>, %arg3: memref<32x128xf32, #tpu.memory_space<vmem>>, %arg4: memref<32x128xf32, #tpu.memory_space<vmem>>) attributes {dimension_semantics = [#tpu.dimension_semantics<arbitrary>], iteration_bounds = array<i64: 4>, scalar_prefetch = 0 : i64, scratch_operands = 0 : i64, tpu.core_type = #tpu.core_type<tc>, window_params = [{transform_indices = @transform_0, window_bounds = array<i64: 4096, 128>}, {transform_indices = @transform_1, window_bounds = array<i64: 4096, 128>}, {transform_indices = @transform_2, window_bounds = array<i64: 32, 128>}, {transform_indices = @transform_3, window_bounds = array<i64: 32, 128>}]} {
    %get3A = arith.constant 0 : index
    %get3A_0 = arith.constant 0 : index
    %get3A_1 = vector.load %arg1[%get3A, %get3A_0] : memref<4096x128xf32, #tpu.memory_space<vmem>>, vector<4096x128xf32>
    %get3A_2 = arith.constant 0 : index
    %get3A_3 = arith.constant 0 : index
    %get3A_4 = vector.load %arg2[%get3A_2, %get3A_3] : memref<4096x128xf32, #tpu.memory_space<vmem>>, vector<4096x128xf32>
    %iota3A = tpu.iota {dimensions = array<i32: 1>} : vector<1x128xi32>
    %convert_element_type3A = arith.sitofp %iota3A : vector<1x128xi32> to vector<1x128xf32>
    %abs3A = math.absf %get3A_1 : vector<4096x128xf32>
    %neg3A = arith.constant 0.000000e+00 : f32
    %neg3A_5 = vector.broadcast %neg3A : f32 to vector<4096x128xf32>
    %neg3A_6 = arith.subf %neg3A_5, %abs3A : vector<4096x128xf32>
    %exp3A = math.exp %neg3A_6 : vector<4096x128xf32>
    %add3A = arith.constant 1.000000e+00 : f32
    %add3A_7 = vector.broadcast %add3A : f32 to vector<4096x128xf32>
    %add3A_8 = arith.addf %add3A_7, %exp3A : vector<4096x128xf32>
    %div3A = arith.constant 1.000000e+00 : f32
    %div3A_9 = vector.broadcast %div3A : f32 to vector<4096x128xf32>
    %div3A_10 = arith.divf %div3A_9, %add3A_8 : vector<4096x128xf32>
    %ge3A = arith.constant 0.000000e+00 : f32
    %ge3A_11 = vector.broadcast %ge3A : f32 to vector<4096x128xf32>
    %ge3A_12 = arith.cmpf oge, %get3A_1, %ge3A_11 : vector<4096x128xf32>
    %mul3A = arith.mulf %exp3A, %div3A_10 : vector<4096x128xf32>
    %select_n3A = arith.select %ge3A_12, %div3A_10, %mul3A : vector<4096x128xi1>, vector<4096x128xf32>
    %mul3A_13 = vector.broadcast %convert_element_type3A : vector<1x128xf32> to vector<4096x128xf32>
    %mul3A_14 = arith.mulf %select_n3A, %mul3A_13 : vector<4096x128xf32>
    %reduce_sum3A = arith.constant dense<0.000000e+00> : vector<4096xf32>
    %reduce_sum3A_15 = vector.multi_reduction <add>, %mul3A_14, %reduce_sum3A [1] : vector<4096x128xf32> to vector<4096xf32>
    %max3A = arith.constant 0.000000e+00 : f32
    %max3A_16 = vector.broadcast %max3A : f32 to vector<4096x128xf32>
    %max3A_17 = arith.maximumf %get3A_1, %max3A_16 : vector<4096x128xf32>
    %mul3A_18 = arith.mulf %get3A_1, %get3A_4 : vector<4096x128xf32>
    %sub3A = arith.subf %max3A_17, %mul3A_18 : vector<4096x128xf32>
    %log1p3A = math.log1p %exp3A : vector<4096x128xf32>
    %add3A_19 = arith.addf %sub3A, %log1p3A : vector<4096x128xf32>
    %reduce_sum3A_20 = arith.constant dense<0.000000e+00> : vector<4096xf32>
    %reduce_sum3A_21 = vector.multi_reduction <add>, %add3A_19, %reduce_sum3A_20 [1] : vector<4096x128xf32> to vector<4096xf32>
    %div3A_22 = arith.constant 1.280000e+02 : f32
    %div3A_23 = vector.broadcast %div3A_22 : f32 to vector<4096xf32>
    %div3A_24 = arith.divf %reduce_sum3A_21, %div3A_23 : vector<4096xf32>
    %reshape3A = vector.shape_cast %div3A_24 : vector<4096xf32> to vector<32x128xf32>
    %swap3A = arith.constant 0 : index
    %swap3A_25 = arith.constant 0 : index
    %swap3A_26 = vector.load %arg3[%swap3A, %swap3A_25] : memref<32x128xf32, #tpu.memory_space<vmem>>, vector<32x128xf32>
    tpu.vector_store %arg3[%swap3A, %swap3A_25], %reshape3A {strides = array<i32>} : memref<32x128xf32, #tpu.memory_space<vmem>>, vector<32x128xf32>,
    %reshape3A_27 = vector.shape_cast %reduce_sum3A_15 : vector<4096xf32> to vector<32x128xf32>
    %swap3A_28 = arith.constant 0 : index
    %swap3A_29 = arith.constant 0 : index
    %swap3A_30 = vector.load %arg4[%swap3A_28, %swap3A_29] : memref<32x128xf32, #tpu.memory_space<vmem>>, vector<32x128xf32>
    tpu.vector_store %arg4[%swap3A_28, %swap3A_29], %reshape3A_27 {strides = array<i32>} : memref<32x128xf32, #tpu.memory_space<vmem>>, vector<32x128xf32>,
    return
  }
  func.func @transform_0(%arg0: i32) -> (i32, i32) {
    %c0_i32 = arith.constant 0 : i32
    %c0_i32_0 = arith.constant 0 : i32
    return %arg0, %c0_i32 : i32, i32
  }
  func.func @transform_1(%arg0: i32) -> (i32, i32) {
    %c0_i32 = arith.constant 0 : i32
    %c0_i32_0 = arith.constant 0 : i32
    return %arg0, %c0_i32 : i32, i32
  }
  func.func @transform_2(%arg0: i32) -> (i32, i32) {
    %c0_i32 = arith.constant 0 : i32
    %c0_i32_0 = arith.constant 0 : i32
    return %arg0, %c0_i32 : i32, i32
  }
  func.func @transform_3(%arg0: i32) -> (i32, i32) {
    %c0_i32 = arith.constant 0 : i32
    %c0_i32_0 = arith.constant 0 : i32
    return %arg0, %c0_i32 : i32, i32
  }
}

</mosaic_0001>

<sc_bundles>
// kernel: kernel.4.cloned.1.call-start
scs
__scs_entry_jumppad:
0x0: {  	(pc) =	sbr.rel $0x88, $3  }
0x1: {  	(tag) =	ssettag $0x0;
	lr =	simm.s32 $0x1  }
0x2: {  	[smem:$0x3F9C] =	sst lr;
	_ =	strace $0xD0000000  }
0x3: {  	_ = 	snop  }
0x4: {  	_ = 	snop  }
0x5: {  	_ = 	snop  }
0x6: {  	_ = 	snop  }
0x7: {  	_ = 	snop  }
__scs_overlays_trampoline_lowered:
0x8: {  	[smem:$0x3FAB] =	sst s0  }
0x9: {  	[smem:$0x3FAC] =	sst s1  }
0xa: {  	[smem:$0x3FAD] =	sst s2  }
0xb: {  	[smem:$0x3FAE] =	sst s3  }
0xc: {  	[smem:$0x3FAF] =	sst s4  }
0xd: {  	[smem:$0x3FB0] =	sst s5  }
0xe: {  	[smem:$0x3FB1] =	sst s6  }
0xf: {  	[smem:$0x3FB2] =	sst s7  }
0x10: {  	[smem:$0x3FB3] =	sst s8  }
0x11: {  	[smem:$0x3FB4] =	sst s9;
	s0 =	simm.s32 @!p0 $0x0  }
0x12: {  	s1 =	sld [smem:$0x3F9A];
	s0 =	simm.s32 @p0 $0x1  }
0x13: {  	[smem:$0x3FB5] =	sst s0;
	s0 =	simm.s32 @!p1 $0x0  }
0x14: {  	s2 =	sld [smem:$0x3F99];
	s0 =	simm.s32 @p1 $0x1  }
0x15: {  	[smem:$0x3FB6] =	sst s0;
	s0 =	simm.s32 @!p2 $0x0  }
0x16: {  	s3 =	sld [smem:$0x3FDB];
	s0 =	simm.s32 @p2 $0x1  }
0x17: {  	s4 =	simm.s32 $0x1BF5;
	[smem:$0x3FB8] =	sst s0  }
0x18: {  	s0 =	sld [smem:$0x3F9B];
	_ =	swait.ge [sflag:s4], $0x0  }
0x19: {  	s7 =	sld [smem:$0x3F9C]  }
0x1a: {  	s8 =	sadd.s32 $0xFFFFE003, lr  }
0x1b: {  	s9 =	sadd.s32 $0xFFFFFEF7, lr;
	s5 =	simm.s32 $0xFFFFFFFF;
	p2 =	slt.u32 s8, $0xFFFFF086  }
0x1c: {  	p1 =	slt.u32 s9, $0xF7A;
	s5 =	simm.s32 @!p2 $0x0  }
0x1d: {  	s5 =	simm.s32 @p1 $0x1;
	p0 =	seq.s32 s7, s2  }
0x1e: {  	s7 =	smul.u32 @!p0 $0xF7A, s2;
	p2 =	seq.s32 @!p0 s5, $0x0  }
0x1f: {  	s9 =	smul.u32 $0xF7A, s1;
	s8 =	simm.s32 @!p0 $0x1BF5;
	p2 =	por !p2, p0  }
0x20: {  	[sflag:s8] =	ssyncset.s32 @!p0 $0xFFFFF086;
	s6 =	sadd.s32 @!p0 s3, s7;
	s7 =	simm.s32 @!p0 $0x108  }
0x21: {  	s3 =	sadd.s32 s3, s9;
	s6 =	sadd.s32 @!p0 $0x88, s6;
	s7 =	simm.s32 @p2 $0x1082  }
0x22: {  	[simem:s7], [sflag:s8] =	dma.local @!p0 [hbm:s6], $0xF7A  }
0x23: {  	s9 =	sor.u32 $0xD0000000, s2;
	s6 =	simm.s32 $0x108;
	_ =	swait.ge @!p0 [sflag:s8], $0x0  }
0x24: {  	s3 =	sadd.s32 $0x88, s3;
	s6 =	simm.s32 @!p1 $0x1082;
	[sflag:s4] =	ssyncset.s32 $0xFFFFF086  }
0x25: {  	[simem:s6], [sflag:s4] =	dma.local [hbm:s3], $0xF7A  }
0x26: {  	[smem:$0x3F9C] =	sst s1;
	(tag) =	ssettag s2;
	_ =	strace s9  }
0x27: {  	s1 =	sld [smem:$0x3FAC]  }
0x28: {  	s2 =	sld [smem:$0x3FAD]  }
0x29: {  	s4 =	sld [smem:$0x3FAF]  }
0x2a: {  	p0 =	seq.s32 s5, $0x0;
	s5 =	sld [smem:$0x3FB0]  }
0x2b: {  	s6 =	sld [smem:$0x3FB1]  }
0x2c: {  	s7 =	sld [smem:$0x3FB2]  }
0x2d: {  	s3 =	simm.s32 $0x108;
	s8 =	sld [smem:$0x3FB3]  }
0x2e: {  	s3 =	simm.s32 @!p0 $0x1082;
	s9 =	sld [smem:$0x3FB4]  }
0x2f: {  	lr =	sadd.s32 s0, s3;
	s0 =	sld [smem:$0x3FAB]  }
0x30: {  	s3 =	sld [smem:$0x3FAE]  }
0x31: {  	[smem:$0x3FB7] =	sst s10  }
0x32: {  	s10 =	sld [smem:$0x3FB5];
	_ =	sdelay $0x3  }
0x33: {  	p0 =	seq.s32 s10, $0x1;
	s10 =	sld [smem:$0x3FB7];
	_ =	sdelay $0x3  }
0x34: {  	[smem:$0x3FB7] =	sst s10  }
0x35: {  	s10 =	sld [smem:$0x3FB6];
	_ =	sdelay $0x3  }
0x36: {  	p1 =	seq.s32 s10, $0x1;
	s10 =	sld [smem:$0x3FB7];
	_ =	sdelay $0x3  }
0x37: {  	[smem:$0x3FB7] =	sst s10  }
0x38: {  	s10 =	sld [smem:$0x3FB8]  }
0x39: {  	_ = 	snop;
	(pc) =	sbr.ind lr, $3  }
0x3a: {  	_ = 	snop  }
0x3b: {  	_ = 	snop  }
0x3c: {  	p2 =	seq.s32 s10, $0x1;
	s10 =	sld [smem:$0x3FB7]  }
0x3d: {  	_ =	shalt  }
0x3e: {  	_ =	shalt  }
0x3f: {  	_ =	shalt  }
0x40: {  	_ =	shalt  }
0x41: {  	_ =	shalt  }
0x42: {  	_ =	shalt  }
0x43: {  	_ =	shalt  }
0x44: {  	_ =	shalt  }
0x45: {  	_ =	shalt  }
0x46: {  	_ =	shalt  }
0x47: {  	_ =	shalt  }
0x48: {  	_ =	shalt  }
0x49: {  	_ =	shalt  }
0x4a: {  	_ =	shalt  }
0x4b: {  	_ =	shalt  }
0x4c: {  	_ =	shalt  }
0x4d: {  	_ =	shalt  }
0x4e: {  	_ =	shalt  }
0x4f: {  	_ =	shalt  }
0x50: {  	_ =	shalt  }
0x51: {  	_ =	shalt  }
0x52: {  	_ =	shalt  }
0x53: {  	_ =	shalt  }
0x54: {  	_ =	shalt  }
0x55: {  	_ =	shalt  }
0x56: {  	_ =	shalt  }
0x57: {  	_ =	shalt  }
0x58: {  	_ =	shalt  }
0x59: {  	_ =	shalt  }
0x5a: {  	_ =	shalt  }
0x5b: {  	_ =	shalt  }
0x5c: {  	_ =	shalt  }
0x5d: {  	_ =	shalt  }
0x5e: {  	_ =	shalt  }
0x5f: {  	_ =	shalt  }
0x60: {  	_ =	shalt  }
0x61: {  	_ =	shalt  }
0x62: {  	_ =	shalt  }
0x63: {  	_ =	shalt  }
0x64: {  	_ =	shalt  }
0x65: {  	_ =	shalt  }
0x66: {  	_ =	shalt  }
0x67: {  	_ =	shalt  }
0x68: {  	_ =	shalt  }
0x69: {  	_ =	shalt  }
0x6a: {  	_ =	shalt  }
0x6b: {  	_ =	shalt  }
0x6c: {  	_ =	shalt  }
0x6d: {  	_ =	shalt  }
0x6e: {  	_ =	shalt  }
0x6f: {  	_ =	shalt  }
0x70: {  	_ =	shalt  }
0x71: {  	_ =	shalt  }
0x72: {  	_ =	shalt  }
0x73: {  	_ =	shalt  }
0x74: {  	_ =	shalt  }
0x75: {  	_ =	shalt  }
0x76: {  	_ =	shalt  }
0x77: {  	_ =	shalt  }
0x78: {  	_ =	shalt  }
0x79: {  	_ =	shalt  }
0x7a: {  	_ =	shalt  }
0x7b: {  	_ =	shalt  }
0x7c: {  	_ =	shalt  }
0x7d: {  	_ =	shalt  }
0x7e: {  	_ =	shalt  }
0x7f: {  	_ =	shalt  }
0x80: {  	_ =	shalt  }
0x81: {  	_ =	shalt  }
0x82: {  	_ =	shalt  }
0x83: {  	_ =	shalt  }
0x84: {  	_ =	shalt  }
0x85: {  	_ =	shalt  }
0x86: {  	_ =	shalt  }
0x87: {  	_ =	shalt  }
.Lfunc_end0:
.L_simem_size_0:
called_computation_lowered:
.L_overlay_start_0:
0x88: {  	s0 =	sld [smem:$0x3FD9]  }
0x89: {  	s1 =	sld [smem:$0x3FFE];
	_ =	sdelay $0x3  }
0x8a: {  	s0 =	sadd.s32 s1, s0  }
0x8b: {  	[smem:$0x3FC3] =	sst s0  }
0x8c: {  	_ = 	snop  }
0x8d: {  	s0 =	sld [smem:$0x3FC8]  }
0x8e: {  	s16 =	sld [smem:$0x3FC6]  }
0x8f: {  	s2 =	sld [smem:$0x3FC5]  }
0x90: {  	s3 =	sld [smem:$0x3FD0];
	(tm) =	ssettm $0x1  }
0x91: {  	s4 =	sld [smem:$0x3FFB];
	_ =	sdelay $0x3  }
0x92: {  	_ =	strace s4  }
0x93: {  	s4 =	sld [smem:$0x3FFC];
	_ =	sdelay $0x3  }
0x94: {  	_ =	strace s4  }
0x95: {  	s4 =	sld [smem:$0x3FFD];
	_ =	sdelay $0x3  }
0x96: {  	_ =	strace s4  }
0x97: {  	_ =	strace $0x8FFFFFFF  }
0x98: {  	s17 =	sld [smem:$0x3FDB];
	_ =	sdelay $0x1  }
0x99: {  	s5 =	simm.s32 $_scs_section_size  }
0x9a: {  	s6 =	simm.s32 $_size__tile_overlayer_lowered;
	s7 =	simm.s32 $_tile_overlayer_lowered  }
0x9b: {  	s20 =	simm.s32 $0x1BFF;
	s19 =	sshll.u32 s7, $0x1;
	s4 =	sadd.s32 s5, s17  }
0x9c: {  	s8 =	simm.s32 $0x0;
	s18 =	sshll.u32 s6, $0x1;
	s6 =	sadd.s32 s19, s4  }
0x9d: {  	[timem:s8], [sflag:s20] =	dma.local [hbm:s6], s18  }
0x9e: {  	_ =	swait.ge [sflag:s20], s18  }
0x9f: {  	s5 =	ssub.s32 $0x0, s18;
	[sflag:s20] =	ssyncset.done $0x0  }
0xa0: {  	[sflag:s20] =	ssyncadd.s32 s5;
	_ =	sdelay $0x1  }
0xa1: {  	s21 =	simm.s32 $0x1B8B  }
0xa2: {  	_ =	swait.ge [sflag:s21], $0x1  }
0xa3: {  	[sflag:s21] =	ssyncset.done $0x0  }
0xa4: {  	s23 =	simm.s32 $0x1B8E;
	s22 =	sld [smem:$0x3FFE];
	[sflag:s21] =	ssyncadd.s32 $0xFFFFFFFF  }
0xa5: {  	s24 =	simm.s32 $execute0_lowered;
	[smem:$0x3FD2] =	sst s23  }
0xa6: {  	s6 =	sshll.u32 s24, $0x1;
	_ =	strace $0x80000046;
	[dreg:$0x1] =	wrdreg $0xFFFFFFFF  }
0xa7: {  	s25 =	simm.s32 $_size_execute0_lowered;
	s4 =	sadd.s32 s4, s6;
	[dreg:$0x0] =	wrdreg $0x0  }
0xa8: {  	s6 =	sshll.u32 s25, $0x1;
	[dreg:$0x2] =	wrdreg s4  }
0xa9: {  	[dreg:$0x3] =	wrdreg s6  }
0xaa: {  	[dreg:$0x4] =	wrdreg $0xC0  }
0xab: {  	_ =	task [dreg:s8], $0x5FFFF  }
0xac: {  	[dreg:$0x1] =	wrdreg $0xFFFFFFFF  }
0xad: {  	[dreg:$0x0] =	wrdreg $0x60  }
0xae: {  	[dreg:$0x2] =	wrdreg s22  }
0xaf: {  	[dreg:$0x3] =	wrdreg s0  }
0xb0: {  	[dreg:$0x4] =	wrdreg s16  }
0xb1: {  	[dreg:$0x5] =	wrdreg s2  }
0xb2: {  	[dreg:$0x6] =	wrdreg s3  }
0xb3: {  	[dreg:$0x7] =	wrdreg $0x36800  }
0xb4: {  	[dreg:$0x8] =	wrdreg $0x9  }
0xb5: {  	_ =	task.clear_ibuf [dreg:s8], $0x9FFFF;
	_ =	strace $0x90000046  }
0xb6: {  	s26 =	simm.s32 $0x9;
	_ =	strace $0x80000048  }
0xb7: {  	_ =	swait.ge [sflag:s26], $0x1  }
0xb8: {  	[sflag:s26] =	ssyncadd.s32 $0xFFFFFFFF  }
0xb9: {  	_ =	strace $0x90000048  }
0xba: {  	_ =	sfence  }
0xbb: {  	s28 =	sld [smem:$0x0];
	_ =	sdelay $0x1  }
0xbc: {  	s29 =	srdreg.scid  }
0xbd: {  	s30 =	sshll.u32 s29, $0xD;
	s31 =	sshrl.u32 s29, $0x2  }
0xbe: {  	s1 =	sand.u32 $0x1, s29;
	s2 =	sand.u32 $0x4000, s30;
	s0 =	sadd.s32 s31, s28  }
0xbf: {  	s1 =	sor.u32 s2, s1;
	s0 =	sshll.u32 s0, $0x11  }
0xc0: {  	s0 =	sor.u32 s0, s1  }
0xc1: {  	s0 =	sadd.s32 $0x8F2B, s0  }
0xc2: {  	[sflag:s0] =	ssyncadd.remote.s32 $0x1  }
0xc3: {  	_ =	sfence.sel $0xFFFF  }
0xc4: {  	[dreg:$0x0] =	wrdreg $0xFFFFFFFF;
	(pc) =	sbr.abs _section_cstart, $3  }
0xc5: {  	[dreg:$0x1] =	wrdreg $0xFFFFFFFF  }
0xc6: {  	_ =	task.clear_ibuf [dreg:s8], $0x2FFFF;
	_ =	strace $0x9FFFFFFF  }
0xc7: {  	(tm) =	ssettm $0x7FFFFFFF  }
tec
execute0_lowered:
.L_overlay_start_1:
0x0: {  	(tag) =	ssettag $0x1  }
0x1: {  	s2 =	rddreg [dreg:$0x0]  }
0x2: {  	s5 =	rddreg [dreg:$0x1]  }
0x3: {  	s6 =	rddreg [dreg:$0x2];
	s4 =	stileid.u32  }
0x4: {  	s7 =	rddreg [dreg:$0x3];
	s8 =	simm.s32 $0x0;
	s9 =	sshll.u32 s4, $0x7  }
0x5: {  	[smem:$0x7FF] =	sst s8;
	s2 =	sadd.s32 s9, s2  }
0x6: {  	s3 =	rddreg [dreg:$0x5];
	_ =	strace $0x80000047;
	s10 =	sadd.s32 $0xE00, s2  }
0x7: {  	[tilespmem:s8], [sflag:$0x1] =	stream.linear.gather [hbm4b:s10+s8], $0x400, $0x38;
	[tilespmem:$0x36C0] =	vst v63  }
0x8: {  	s23 =	simm.s32 $0x400;
	s2 =	sadd.s32 $0x1600, s2  }
0x9: {  	[tilespmem:s23], [sflag:$0x1] =	stream.linear.gather [hbm4b:s2+s8], $0x400, $0x38;
	[tilespmem:$0x36C0] =	vst v63  }
0xa: {  	s25 =	simm.s32 $0x800;
	s24 =	sadd.s32 s5, s9  }
0xb: {  	[tilespmem:s25], [sflag:$0x1] =	stream.linear.gather [hbm4b:s24+s8], $0x400, $0x38;
	[tilespmem:$0x36C0] =	vst v63  }
0xc: {  	s28 =	simm.s32 $0xC00;
	s26 =	sadd.s32 s6, s9  }
0xd: {  	[tilespmem:s28], [sflag:$0x1] =	stream.linear.gather [hbm4b:s26+s8], $0x400, $0x38;
	[tilespmem:$0x36C0] =	vst v63  }
0xe: {  	s30 =	simm.s32 $0x1000;
	s31 =	simm.s32 $0x1;
	s29 =	sadd.s32 s7, s9  }
0xf: {  	[tilespmem:s30], [sflag:$0x1] =	stream.linear.gather [hbm4b:s29+s8], $0x400, $0x38;
	[tilespmem:$0x36C0] =	vst v63  }
0x10: {  	_ =	swait.ge [sflag:s31], $0x400  }
0x11: {  	[sflag:s31] =	ssyncset.done $0x0  }
0x12: {  	[sflag:s31] =	ssyncadd.s32 $0xFFFFFC00  }
0x13: {  	_ =	swait.ge [sflag:s31], $0x400  }
0x14: {  	[sflag:s31] =	ssyncset.done $0x0  }
0x15: {  	[sflag:s31] =	ssyncadd.s32 $0xFFFFFC00  }
0x16: {  	_ =	swait.ge [sflag:s31], $0x400  }
0x17: {  	[sflag:s31] =	ssyncset.done $0x0  }
0x18: {  	[sflag:s31] =	ssyncadd.s32 $0xFFFFFC00  }
0x19: {  	_ =	swait.ge [sflag:s31], $0x400  }
0x1a: {  	[sflag:s31] =	ssyncset.done $0x0  }
0x1b: {  	[sflag:s31] =	ssyncadd.s32 $0xFFFFFC00  }
0x1c: {  	_ =	swait.ge [sflag:s31], $0x400  }
0x1d: {  	[sflag:s31] =	ssyncset.done $0x0  }
0x1e: {  	s2 =	simm.s32 $0x0;
	[sflag:s31] =	ssyncadd.s32 $0xFFFFFC00  }
0x1f: {  	v1 =	vld [tilespmem:s2+$0x1030]  }
0x20: {  	v2 =	vld [tilespmem:s2+$0x430]  }
0x21: {  	v3 =	vld [tilespmem:s2+$0x830]  }
0x22: {  	v6 =	vld [tilespmem:s2+$0xC30]  }
0x23: {  	v8 =	vld [tilespmem:s2+$0x1020]  }
0x24: {  	v7 =	vld [tilespmem:s2+$0x420]  }
0x25: {  	v9 =	vld [tilespmem:s2+$0x820]  }
0x26: {  	v10 =	vld [tilespmem:s2+$0xC20]  }
0x27: {  	v12 =	vld [tilespmem:s2+$0x1010]  }
0x28: {  	v11 =	vld [tilespmem:s2+$0x410]  }
0x29: {  	v13 =	vld [tilespmem:s2+$0x810]  }
0x2a: {  	v14 =	vld [tilespmem:s2+$0xC10]  }
0x2b: {  	v15 =	vld [tilespmem:s2+$0x1000]  }
0x2c: {  	v16 =	vld [tilespmem:s2+$0x400]  }
0x2d: {  	v0 =	vimm.f32 $0.0e+00;
	v4 =	vimm.f32 $0.0e+00;
	v5 =	vimm.f32 $0.0e+00;
	v17 =	vld [tilespmem:s2+$0x800]  }
0x2e: {  	v18 =	vld [tilespmem:s2+$0xC00];
	vm0 =	veq.s32 v1, $0x1;
	vm2 =	veq.s32 v8, $0x1;
	vm1 =	veq.s32 v1, $0x2  }
0x2f: {  	s5 =	simm.s32 $0x100;
	vm3 =	vlt.f32 v2, v3;
	v1 =	vld [tilespmem:s2+$0x30];
	v3 =	vimm.f32 $0.0e+00;
	v2 =	vimm.f32 $0.0e+00  }
.LBB2_1:
0x30: {  	s6 =	sshra.s32 s5, $0x2;
	p0 =	sne.s32 s5, $0xF00;
	vm6 =	veq.s32 v12, $0x1;
	v19 =	vld [tilespmem:s2+$0x20];
	vm4 =	veq.s32 v8, $0x2;
	vm7 =	veq.s32 v6, $0x0  }
0x31: {  	vm5 =	veq.s32 v12, $0x2;
	vm8 =	vlt.f32 v7, v9;
	vm9 =	veq.s32 v10, $0x0;
	v20 =	vld [tilespmem:s6+$0x1030]  }
0x32: {  	vm10 =	veq.s32 v15, $0x1;
	vm11 =	vlt.f32 v11, v13;
	vm12 =	veq.s32 v14, $0x0;
	v12 =	vld [tilespmem:s2+$0x10]  }
0x33: {  	vm13 =	veq.s32 v15, $0x2;
	vm14 =	vlt.f32 v16, v17;
	v10 =	vld [tilespmem:s2+$0x0];
	vm15 =	veq.s32 v18, $0x0;
	s2 =	smov.u32 s6  }
0x34: {  	v16 =	vsel vm2, $0x3F800000, v0;
	vm2 =	vmor vm3, vm7;
	v18 =	vsel vm0, $0x3F800000, v0;
	v21 =	vld [tilespmem:s2+$0x430]  }
0x35: {  	v14 =	vsel vm6, $0x3F800000, v0;
	vm3 =	vmor vm8, vm9;
	vm0 =	vmor vm14, vm15;
	v22 =	vld [tilespmem:s2+$0x830]  }
0x36: {  	v11 =	vsel vm10, $0x3F800000, v0;
	vm6 =	vmor vm11, vm12;
	vm0 =	vmand vm13, vm0;
	v6 =	vld [tilespmem:s2+$0xC30]  }
0x37: {  	v17 =	vmul.f32 v16, v19;
	v13 =	vsel vm0, $0x3F800000, v0;
	vm0 =	vmand vm1, vm2;
	v8 =	vld [tilespmem:s2+$0x1020]  }
0x38: {  	vm1 =	vmand vm5, vm6;
	v23 =	vmul.f32 v14, v12;
	v7 =	vld [tilespmem:s2+$0x420];
	v15 =	vmul.f32 v13, v10  }
0x39: {  	v25 =	vsel vm1, $0x3F800000, v0;
	vm1 =	vmand vm4, vm3;
	v24 =	vmul.f32 v11, v10;
	v9 =	vld [tilespmem:s2+$0x820]  }
0x3a: {  	v5 =	vadd.f32 v13, v5;
	v13 =	vmul.f32 v25, v12;
	v10 =	vld [tilespmem:s2+$0xC20];
	v4 =	vadd.f32 v15, v4  }
0x3b: {  	v2 =	vadd.f32 v11, v2;
	v3 =	vadd.f32 v24, v3;
	v15 =	vsel vm1, $0x3F800000, v0;
	v12 =	vld [tilespmem:s2+$0x1010]  }
0x3c: {  	v5 =	vadd.f32 v25, v5;
	v19 =	vmul.f32 v15, v19;
	v11 =	vld [tilespmem:s2+$0x410];
	v4 =	vadd.f32 v13, v4  }
0x3d: {  	v2 =	vadd.f32 v14, v2;
	v3 =	vadd.f32 v23, v3;
	v23 =	vsel vm0, $0x3F800000, v0;
	v13 =	vld [tilespmem:s2+$0x810]  }
0x3e: {  	v5 =	vadd.f32 v15, v5;
	v14 =	vld [tilespmem:s2+$0xC10];
	v4 =	vadd.f32 v19, v4;
	v19 =	vmul.f32 v23, v1  }
.Ltmp0:
0x3f: {  	v2 =	vadd.f32 v16, v2;
	v3 =	vadd.f32 v17, v3;
	v1 =	vmul.f32 v18, v1;
	v15 =	vld [tilespmem:s2+$0x1000];
	(pc) =	sbr.rel @p0 .LBB2_1-.Ltmp0, $4  }
0x40: {  	v5 =	vadd.f32 v23, v5;
	v16 =	vld [tilespmem:s2+$0x400];
	v4 =	vadd.f32 v19, v4  }
0x41: {  	v2 =	vadd.f32 v18, v2;
	v3 =	vadd.f32 v1, v3;
	v17 =	vld [tilespmem:s2+$0x800]  }
0x42: {  	vm0 =	veq.s32 v20, $0x1;
	v18 =	vld [tilespmem:s2+$0xC00]  }
0x43: {  	s5 =	sadd.s32 $0x100, s5;
	vm1 =	veq.s32 v20, $0x2;
	vm3 =	vlt.f32 v21, v22;
	vm2 =	veq.s32 v8, $0x1;
	v1 =	vld [tilespmem:s2+$0x30]  }
0x44: {  	vm4 =	veq.s32 v12, $0x1;
	vm5 =	veq.s32 v8, $0x2  }
0x45: {  	vm6 =	veq.s32 v6, $0x0;
	vm7 =	veq.s32 v12, $0x2;
	vm8 =	vlt.f32 v7, v9  }
0x46: {  	vm9 =	veq.s32 v10, $0x0;
	vm10 =	veq.s32 v15, $0x1;
	vm11 =	vlt.f32 v11, v13  }
0x47: {  	v48 =	vld [tilespmem:s2+$0x20];
	vm12 =	veq.s32 v14, $0x0;
	vm13 =	veq.s32 v15, $0x2;
	v51 =	vsel vm2, $0x3F800000, v0  }
0x48: {  	v49 =	vld [tilespmem:s2+$0x0];
	v62 =	vsel vm0, $0x3F800000, v0;
	vm2 =	vmor vm3, vm6;
	v53 =	vsel vm10, $0x3F800000, v0  }
0x49: {  	v52 =	vsel vm4, $0x3F800000, v0;
	vm9 =	vmor vm8, vm9;
	v2 =	vadd.f32 v53, v2  }
0x4a: {  	v50 =	vld [tilespmem:s2+$0x10];
	vm14 =	vlt.f32 v16, v17;
	vm1 =	vmand vm1, vm2;
	vm15 =	veq.s32 v18, $0x0  }
0x4b: {  	v60 =	vsel vm1, $0x3F800000, v0;
	vm15 =	vmor vm14, vm15;
	v2 =	vadd.f32 v52, v2  }
0x4c: {  	vm3 =	vmand vm13, vm15;
	vm13 =	vmor vm11, vm12;
	v55 =	vmul.f32 v51, v48  }
0x4d: {  	v7 =	vmul.f32 v53, v49;
	vm15 =	vmand vm5, vm9;
	v54 =	vsel vm3, $0x3F800000, v0  }
0x4e: {  	vm14 =	vmand vm7, vm13;
	v56 =	vmul.f32 v54, v49;
	v5 =	vadd.f32 v54, v5  }
0x4f: {  	v8 =	vmul.f32 v52, v50;
	v57 =	vsel vm14, $0x3F800000, v0;
	v3 =	vadd.f32 v7, v3  }
0x50: {  	v58 =	vmul.f32 v57, v50;
	v4 =	vadd.f32 v56, v4;
	v5 =	vadd.f32 v57, v5  }
0x51: {  	v59 =	vsel vm15, $0x3F800000, v0;
	v2 =	vadd.f32 v51, v2;
	v3 =	vadd.f32 v8, v3  }
0x52: {  	v6 =	vmul.f32 v59, v48;
	v4 =	vadd.f32 v58, v4;
	v5 =	vadd.f32 v59, v5  }
0x53: {  	v63 =	vmul.f32 v62, v1;
	v0 =	vadd.f32 v62, v2;
	v3 =	vadd.f32 v55, v3  }
0x54: {  	v61 =	vmul.f32 v60, v1;
	v4 =	vadd.f32 v6, v4;
	v5 =	vadd.f32 v60, v5  }
0x55: {  	[tilespmem:$0x1580] =	vst v0;
	v1 =	vadd.f32 v63, v3  }
0x56: {  	v4 =	vadd.f32 v61, v4;
	[tilespmem:$0x1480] =	vst v5  }
0x57: {  	s31 =	sshll.u32 s4, $0x9;
	[tilespmem:$0x1500] =	vst v1  }
0x58: {  	s5 =	simm.s32 $0x1400;
	s2 =	sadd.s32 s31, s3;
	[tilespmem:$0x1400] =	vst v4  }
0x59: {  	[spmem:s2] =	stream.linear.scatter [tilespmem:s5], [sflag:$0x2], $0x200, $0x38;
	[tilespmem:$0x36C0] =	vst v63  }
0x5a: {  	s5 =	simm.s32 $0x2  }
0x5b: {  	_ =	swait.ge [sflag:s5], $0x200  }
0x5c: {  	[sflag:s5] =	ssyncset.done $0x0  }
0x5d: {  	[sflag:s5] =	ssyncadd.s32 $0xFFFFFE00  }
0x5e: {  	p0 =	sne.s32 s4, $0x0;
	[bflag:$0x0] =	sbarrier.arrive $0xFFFF  }
0x5f: {  	_ =	sfence.sel @p0 $0x180000  }
0x60: {  	[bflag:$0x0] =	sbarrier.arrive @p0 $0xFFFF  }
0x61: {  	_ =	strace @p0 $0x90000047  }
0x62: {  	[bflag:$0x2] =	sbarrier.arrive @p0 $0xFFFF  }
0x63: {  	_ =	shalt @p0  }
.LBB2_3:
0x64: {  	s4 =	simm.s32 $0x1600  }
0x65: {  	[tilespmem:s4], [sflag:$0x2] =	stream.linear.gather [spmem:s3], $0x2000, $0x38;
	[tilespmem:$0x36C0] =	vst v63  }
0x66: {  	_ =	swait.ge [sflag:s5], $0x2000  }
0x67: {  	[sflag:s5] =	ssyncset.done $0x0  }
0x68: {  	[sflag:s5] =	ssyncadd.s32 $0xFFFFE000  }
0x69: {  	v0 =	vld [tilespmem:$0x1600]  }
0x6a: {  	v1 =	vld [tilespmem:$0x1800];
	_ =	sdelay $0x1  }
0x6b: {  	v2 =	vld [tilespmem:$0x1A00];
	_ =	sdelay $0x1  }
0x6c: {  	v3 =	vld [tilespmem:$0x1C00]  }
0x6d: {  	v0 =	vadd.f32 v1, v0  }
0x6e: {  	v55 =	vld [tilespmem:$0x1E00]  }
0x6f: {  	v0 =	vadd.f32 v2, v0  }
0x70: {  	v56 =	vld [tilespmem:$0x2000]  }
0x71: {  	v0 =	vadd.f32 v3, v0  }
0x72: {  	v57 =	vld [tilespmem:$0x2200]  }
0x73: {  	v0 =	vadd.f32 v55, v0  }
0x74: {  	v58 =	vld [tilespmem:$0x2400]  }
0x75: {  	v59 =	vld [tilespmem:$0x2600];
	v0 =	vadd.f32 v56, v0  }
0x76: {  	v4 =	vld [tilespmem:$0x2800]  }
0x77: {  	v60 =	vld [tilespmem:$0x1680];
	v0 =	vadd.f32 v57, v0  }
0x78: {  	v5 =	vld [tilespmem:$0x1880]  }
0x79: {  	v61 =	vld [tilespmem:$0x2A00];
	v0 =	vadd.f32 v58, v0  }
0x7a: {  	v6 =	vld [tilespmem:$0x1A80]  }
0x7b: {  	v62 =	vld [tilespmem:$0x2C00];
	v0 =	vadd.f32 v59, v0  }
0x7c: {  	v7 =	vld [tilespmem:$0x1C80]  }
0x7d: {  	v63 =	vld [tilespmem:$0x2E00];
	v3 =	vadd.f32 v5, v60;
	v0 =	vadd.f32 v4, v0  }
0x7e: {  	v9 =	vld [tilespmem:$0x1E80]  }
0x7f: {  	v10 =	vld [tilespmem:$0x3000];
	v3 =	vadd.f32 v6, v3;
	v0 =	vadd.f32 v61, v0  }
0x80: {  	v11 =	vld [tilespmem:$0x2080]  }
0x81: {  	v12 =	vld [tilespmem:$0x3200];
	v3 =	vadd.f32 v7, v3;
	v0 =	vadd.f32 v62, v0  }
0x82: {  	v13 =	vld [tilespmem:$0x2280]  }
0x83: {  	v14 =	vld [tilespmem:$0x3400];
	v3 =	vadd.f32 v9, v3;
	v0 =	vadd.f32 v63, v0  }
0x84: {  	v15 =	vld [tilespmem:$0x2480]  }
0x85: {  	v17 =	vld [tilespmem:$0x2680];
	v16 =	vadd.f32 v11, v3;
	v0 =	vadd.f32 v10, v0  }
0x86: {  	v18 =	vld [tilespmem:$0x1700]  }
0x87: {  	v19 =	vld [tilespmem:$0x1900];
	v1 =	vadd.f32 v13, v16;
	v0 =	vadd.f32 v12, v0  }
0x88: {  	v20 =	vld [tilespmem:$0x2880]  }
0x89: {  	v21 =	vld [tilespmem:$0x1B00];
	v1 =	vadd.f32 v15, v1;
	v0 =	vadd.f32 v14, v0  }
0x8a: {  	v22 =	vld [tilespmem:$0x2A80]  }
0x8b: {  	v23 =	vld [tilespmem:$0x1D00];
	v1 =	vadd.f32 v17, v1;
	(v2sf) =	vpush v0, $0x0  }
0x8c: {  	v24 =	vld [tilespmem:$0x2C80];
	v2 =	vadd.f32 v19, v18;
	(v2sf) =	vpush v0, $0x1  }
0x8d: {  	v25 =	vld [tilespmem:$0x1F00];
	v1 =	vadd.f32 v20, v1;
	(v2sf) =	vpush v0, $0x2  }
0x8e: {  	v26 =	vld [tilespmem:$0x2E80];
	v2 =	vadd.f32 v21, v2;
	(v2sf) =	vpush v0, $0x3  }
0x8f: {  	v27 =	vld [tilespmem:$0x2100];
	v1 =	vadd.f32 v22, v1;
	(v2sf) =	vpush v0, $0x4  }
0x90: {  	v28 =	vld [tilespmem:$0x3080];
	v2 =	vadd.f32 v23, v2;
	(v2sf) =	vpush v0, $0x5  }
0x91: {  	v29 =	vld [tilespmem:$0x2300];
	v1 =	vadd.f32 v24, v1;
	(v2sf) =	vpush v0, $0x6  }
0x92: {  	v30 =	vld [tilespmem:$0x3280];
	v2 =	vadd.f32 v25, v2;
	(v2sf) =	vpush v0, $0x7  }
0x93: {  	v31 =	vld [tilespmem:$0x2500];
	v1 =	vadd.f32 v26, v1;
	(v2sf) =	vpush v0, $0x8  }
0x94: {  	v32 =	vld [tilespmem:$0x3480];
	v2 =	vadd.f32 v27, v2;
	(v2sf) =	vpush v0, $0x9  }
0x95: {  	v33 =	vld [tilespmem:$0x2700];
	v1 =	vadd.f32 v28, v1;
	(v2sf) =	vpush v0, $0xA  }
0x96: {  	v35 =	vld [tilespmem:$0x1780];
	v2 =	vadd.f32 v29, v2;
	(v2sf) =	vpush v0, $0xB  }
0x97: {  	v36 =	vld [tilespmem:$0x1980];
	v1 =	vadd.f32 v30, v1;
	(v2sf) =	vpush v0, $0xC  }
0x98: {  	v34 =	vld [tilespmem:$0x2900];
	v2 =	vadd.f32 v31, v2;
	(v2sf) =	vpush v0, $0xD  }
0x99: {  	v39 =	vld [tilespmem:$0x1B80];
	v1 =	vadd.f32 v32, v1;
	(v2sf) =	vpush v0, $0xE  }
0x9a: {  	v37 =	vld [tilespmem:$0x2B00];
	s25 =	spop (v2sf);
	(v2sf) =	vpush v0, $0xF  }
0x9b: {  	v41 =	vld [tilespmem:$0x1D80];
	v38 =	vadd.f32 v33, v2;
	s29 =	spop (v2sf);
	(v2sf) =	vpush v1, $0x0  }
0x9c: {  	v40 =	vld [tilespmem:$0x2D00];
	v4 =	vadd.f32 v36, v35;
	s26 =	spop (v2sf);
	(v2sf) =	vpush v1, $0x1  }
0x9d: {  	v43 =	vld [tilespmem:$0x1F80];
	v0 =	vadd.f32 v34, v38;
	s16 =	spop (v2sf);
	(v2sf) =	vpush v1, $0x2  }
0x9e: {  	v42 =	vld [tilespmem:$0x2F00];
	v2 =	vadd.f32 v39, v4;
	s14 =	spop (v2sf);
	(v2sf) =	vpush v1, $0x3  }
0x9f: {  	v45 =	vld [tilespmem:$0x2180];
	v0 =	vadd.f32 v37, v0;
	s13 =	spop (v2sf);
	(v2sf) =	vpush v1, $0x4  }
0xa0: {  	v44 =	vld [tilespmem:$0x3100];
	v2 =	vadd.f32 v41, v2;
	s12 =	spop (v2sf);
	(v2sf) =	vpush v1, $0x5  }
0xa1: {  	v47 =	vld [tilespmem:$0x2380];
	v0 =	vadd.f32 v40, v0;
	s11 =	spop (v2sf);
	(v2sf) =	vpush v1, $0x6  }
0xa2: {  	v46 =	vld [tilespmem:$0x3300];
	v2 =	vadd.f32 v43, v2;
	s10 =	spop (v2sf);
	(v2sf) =	vpush v1, $0x7  }
0xa3: {  	v49 =	vld [tilespmem:$0x2580];
	v0 =	vadd.f32 v42, v0;
	s9 =	spop (v2sf);
	(v2sf) =	vpush v1, $0x8  }
0xa4: {  	v48 =	vld [tilespmem:$0x3500];
	v2 =	vadd.f32 v45, v2;
	s4 =	spop (v2sf);
	(v2sf) =	vpush v1, $0x9  }
0xa5: {  	v0 =	vadd.f32 v44, v0;
	s0 =	spop (v2sf);
	(v2sf) =	vpush v1, $0xA  }
0xa6: {  	v50 =	vld [tilespmem:$0x2780];
	v2 =	vadd.f32 v47, v2;
	s2 =	spop (v2sf);
	(v2sf) =	vpush v1, $0xB  }
0xa7: {  	v0 =	vadd.f32 v46, v0;
	s6 =	spop (v2sf);
	(v2sf) =	vpush v1, $0xC  }
0xa8: {  	v51 =	vld [tilespmem:$0x2980];
	v2 =	vadd.f32 v49, v2;
	s7 =	spop (v2sf);
	(v2sf) =	vpush v1, $0xD  }
0xa9: {  	v0 =	vadd.f32 v48, v0;
	s8 =	spop (v2sf);
	(v2sf) =	vpush v1, $0xE  }
0xaa: {  	v52 =	vld [tilespmem:$0x2B80];
	s19 =	spop (v2sf);
	(v2sf) =	vpush v1, $0xF  }
0xab: {  	v2 =	vadd.f32 v50, v2;
	s20 =	spop (v2sf);
	(v2sf) =	vpush v0, $0x0  }
0xac: {  	v53 =	vld [tilespmem:$0x2D80];
	s21 =	spop (v2sf);
	(v2sf) =	vpush v0, $0x1  }
0xad: {  	v2 =	vadd.f32 v51, v2;
	s24 =	spop (v2sf);
	(v2sf) =	vpush v0, $0x2  }
0xae: {  	v54 =	vld [tilespmem:$0x2F80];
	s30 =	spop (v2sf);
	(v2sf) =	vpush v0, $0x3  }
0xaf: {  	v1 =	vadd.f32 v52, v2;
	s31 =	spop (v2sf);
	(v2sf) =	vpush v0, $0x4  }
0xb0: {  	v55 =	vld [tilespmem:$0x3180];
	[dreg:$0x8] =	wrdreg s0;
	s0 =	spop (v2sf);
	(v2sf) =	vpush v0, $0x5  }
0xb1: {  	v1 =	vadd.f32 v53, v1;
	(v2sf) =	vpush v0, $0x6;
	s1 =	spop (v2sf)  }
0xb2: {  	v56 =	vld [tilespmem:$0x3380];
	(v2sf) =	vpush v0, $0x7;
	s15 =	spop (v2sf)  }
0xb3: {  	v1 =	vadd.f32 v54, v1;
	(v2sf) =	vpush v0, $0x8;
	s17 =	spop (v2sf)  }
0xb4: {  	v57 =	vld [tilespmem:$0x3580];
	(v2sf) =	vpush v0, $0x9;
	s18 =	spop (v2sf)  }
0xb5: {  	[dreg:$0x7] =	wrdreg s2;
	v1 =	vadd.f32 v55, v1;
	(v2sf) =	vpush v0, $0xA;
	s2 =	spop (v2sf)  }
0xb6: {  	(v2sf) =	vpush v0, $0xB;
	s3 =	spop (v2sf)  }
0xb7: {  	s20 =	sadd.f32 s20, s19;
	v1 =	vadd.f32 v56, v1;
	(v2sf) =	vpush v0, $0xC;
	s28 =	spop (v2sf)  }
0xb8: {  	s25 =	sadd.f32 s29, s25;
	(v2sf) =	vpush v0, $0xD;
	s22 =	spop (v2sf)  }
0xb9: {  	s20 =	sadd.f32 s20, s21;
	v1 =	vadd.f32 v57, v1;
	(v2sf) =	vpush v0, $0xE;
	s23 =	spop (v2sf)  }
0xba: {  	s25 =	sadd.f32 s25, s26;
	(v2sf) =	vpush v0, $0xF;
	s19 =	spop (v2sf)  }
0xbb: {  	s20 =	sadd.f32 s20, s24;
	(v2sf) =	vpush v1, $0x0;
	s29 =	spop (v2sf)  }
0xbc: {  	s16 =	sadd.f32 s25, s16;
	(v2sf) =	vpush v1, $0x1;
	s26 =	spop (v2sf)  }
0xbd: {  	s30 =	sadd.f32 s20, s30;
	s24 =	spop (v2sf)  }
0xbe: {  	s14 =	sadd.f32 s16, s14;
	(v2sf) =	vpush v1, $0x2;
	s25 =	spop (v2sf)  }
0xbf: {  	s16 =	sadd.f32 s30, s31;
	s20 =	spop (v2sf)  }
0xc0: {  	s13 =	sadd.f32 s14, s13;
	(v2sf) =	vpush v1, $0x3;
	s21 =	spop (v2sf)  }
0xc1: {  	s14 =	sadd.f32 s16, s0;
	s30 =	spop (v2sf)  }
0xc2: {  	s13 =	sadd.f32 s13, s12;
	(v2sf) =	vpush v1, $0x4;
	s31 =	spop (v2sf)  }
0xc3: {  	s1 =	sadd.f32 s14, s1;
	s16 =	spop (v2sf)  }
0xc4: {  	s14 =	sadd.f32 s13, s11;
	(v2sf) =	vpush v1, $0x5;
	s0 =	spop (v2sf)  }
0xc5: {  	s1 =	sadd.f32 s1, s15;
	s12 =	spop (v2sf)  }
0xc6: {  	s15 =	sadd.f32 s14, s10;
	(v2sf) =	vpush v1, $0x6;
	s11 =	spop (v2sf)  }
0xc7: {  	s1 =	sadd.f32 s1, s17;
	s13 =	spop (v2sf)  }
0xc8: {  	s9 =	sadd.f32 s15, s9;
	(v2sf) =	vpush v1, $0x7;
	s14 =	spop (v2sf)  }
0xc9: {  	s1 =	sadd.f32 s1, s18;
	s10 =	spop (v2sf)  }
0xca: {  	s4 =	sadd.f32 s9, s4;
	(v2sf) =	vpush v1, $0x8;
	s17 =	spop (v2sf)  }
0xcb: {  	s1 =	sadd.f32 s1, s2;
	s18 =	spop (v2sf)  }
0xcc: {  	(v2sf) =	vpush v1, $0x9;
	s15 =	sadd.f32 s18, s17  }
0xcd: {  	s1 =	sadd.f32 s1, s3;
	s18 =	spop (v2sf)  }
0xce: {  	(v2sf) =	vpush v1, $0xA;
	s2 =	sadd.f32 s15, s18  }
0xcf: {  	s1 =	sadd.f32 s1, s28;
	s17 =	spop (v2sf)  }
0xd0: {  	(v2sf) =	vpush v1, $0xB;
	s2 =	sadd.f32 s2, s17  }
0xd1: {  	s28 =	sadd.f32 s29, s19;
	s18 =	spop (v2sf)  }
0xd2: {  	(v2sf) =	vpush v1, $0xC;
	s2 =	sadd.f32 s2, s18  }
0xd3: {  	s1 =	sadd.f32 s1, s22;
	s22 =	spop (v2sf)  }
0xd4: {  	(v2sf) =	vpush v1, $0xD;
	s2 =	sadd.f32 s2, s22  }
0xd5: {  	s1 =	sadd.f32 s1, s23;
	s23 =	spop (v2sf)  }
0xd6: {  	(v2sf) =	vpush v1, $0xE;
	s2 =	sadd.f32 s2, s23  }
0xd7: {  	s3 =	sadd.f32 s28, s26;
	s29 =	spop (v2sf)  }
0xd8: {  	(v2sf) =	vpush v1, $0xF;
	s2 =	sadd.f32 s2, s29  }
0xd9: {  	s26 =	rddreg [dreg:$0x7];
	s17 =	spop (v2sf)  }
0xda: {  	s2 =	sadd.f32 s2, s17  }
0xdb: {  	s3 =	sadd.f32 s3, s24;
	s18 =	spop (v2sf)  }
0xdc: {  	s2 =	sadd.f32 s2, s18  }
0xdd: {  	s3 =	sadd.f32 s3, s25;
	s19 =	spop (v2sf)  }
0xde: {  	s2 =	sadd.f32 s2, s19  }
0xdf: {  	s3 =	sadd.f32 s3, s20;
	s20 =	spop (v2sf)  }
0xe0: {  	s2 =	sadd.f32 s2, s20  }
0xe1: {  	s3 =	sadd.f32 s3, s21;
	s21 =	spop (v2sf)  }
0xe2: {  	s2 =	sadd.f32 s2, s21  }
0xe3: {  	s3 =	sadd.f32 s3, s30;
	s22 =	spop (v2sf)  }
0xe4: {  	s2 =	sadd.f32 s2, s22  }
0xe5: {  	s3 =	sadd.f32 s3, s31;
	s23 =	spop (v2sf)  }
0xe6: {  	s2 =	sadd.f32 s2, s23  }
0xe7: {  	s3 =	sadd.f32 s3, s16;
	s24 =	spop (v2sf)  }
0xe8: {  	s2 =	sadd.f32 s2, s24  }
0xe9: {  	v58 =	vmov s1;
	s25 =	rddreg [dreg:$0x8]  }
0xea: {  	v60 =	vmax.f32 v58, $1.000000000e+00;
	s0 =	sadd.f32 s3, s0;
	v59 =	vmov s2  }
0xeb: {  	s1 =	sadd.f32 s4, s25;
	(erf) = vrcp.f32 v60;
	v61 =	vmax.f32 v59, $1.000000000e+00  }
0xec: {  	s0 =	sadd.f32 s0, s12;
	(erf) = vrcp.f32 v61  }
0xed: {  	s1 =	sadd.f32 s1, s26  }
0xee: {  	s0 =	sadd.f32 s0, s11  }
0xef: {  	s1 =	sadd.f32 s1, s6  }
0xf0: {  	s0 =	sadd.f32 s0, s13  }
0xf1: {  	s1 =	sadd.f32 s1, s7  }
0xf2: {  	s0 =	sadd.f32 s0, s14  }
0xf3: {  	s1 =	sadd.f32 s1, s8  }
0xf4: {  	v62 =	vpop (erf);
	s0 =	sadd.f32 s0, s10  }
0xf5: {  	v63 =	vpop (erf)  }
0xf6: {  	v2 =	vmul.f32 s1, v62;
	v3 =	vmul.f32 s0, v63;
	_ =	sdelay $0x1  }
0xf7: {  	v2 =	vmul.f32 $6.999999880e-01, v2;
	v3 =	vmul.f32 $3.000000120e-01, v3  }
0xf8: {  	vm0 =	vgt.f32 v58, $0.0e+00;
	vm1 =	vgt.f32 v59, $0.0e+00  }
0xf9: {  	v0 =	vnsel vm0, $0x0, v2;
	v1 =	vnsel vm1, $0x0, v3  }
0xfa: {  	v0 =	vadd.f32 v1, v0;
	_ =	sdelay $0x1  }
0xfb: {  	s28 =	simm.s32 $0x0;
	s30 =	rddreg [dreg:$0x4];
	s29 =	simm.s32 $0x3600;
	[tilespmem:$0x3600] =	vst v0  }
0xfc: {  	[hbm4b:s30+s28] =	stream.linear.scatter [tilespmem:s29], [sflag:$0x2], $0x80, $0x38;
	[tilespmem:$0x36C0] =	vst v63  }
0xfd: {  	_ =	swait.ge [sflag:s5], $0x80  }
0xfe: {  	[sflag:s5] =	ssyncset.done $0x0  }
0xff: {  	[sflag:s5] =	ssyncadd.s32 $0xFFFFFF80  }
0x100: {  	_ =	sfence.sel $0x180000  }
0x101: {  	[bflag:$0x0] =	sbarrier.arrive $0xFFFF  }
0x102: {  	_ =	strace $0x90000047  }
0x103: {  	[bflag:$0x2] =	sbarrier.arrive $0xFFFF  }
0x104: {  	s31 =	rddreg [dreg:$0x6]  }
0x105: {  	s0 =	sadd.s32 $0x100000, s31  }
0x106: {  	[sflag:s0] =	ssyncadd.tile.s32 $0x1;
	_ =	shalt  }
.Lfunc_end2:
_tile_overlayer_lowered:
.L_overlay_start_2:
0x107: {  	(tag) =	ssettag $0x2  }
0x108: {  	s0 =	rddreg [dreg:$0x0];
	s2 =	stileid.u32  }
0x109: {  	s1 =	rddreg [dreg:$0x1];
	p0 =	sne.s32 s2, $0x0  }
0x10a: {  	s3 =	rddreg [dreg:$0x2];
	[bflag:$0x3] =	sbarrier.arrive $0xFFFF;
	s2 =	simm.s32 @!p0 $0x1C02  }
0x10b: {  	[timem:s3], [sflag:s2] =	dma.local @!p0 [hbm:s0], s1  }
0x10c: {  	s0 =	simm.s32 @!p0 $0x2  }
0x10d: {  	_ =	swait.ge @!p0 [sflag:s0], s1  }
0x10e: {  	s1 =	ssub.s32 @!p0 $0x0, s1;
	[sflag:s0] =	ssyncset.done @!p0 $0x0  }
0x10f: {  	[sflag:s0] =	ssyncadd.s32 @!p0 s1  }
0x110: {  	[bflag:$0x3] =	sbarrier.arrive $0xFFFF  }
0x111: {  	_ =	shalt  }

</sc_bundles>
